<compile_context>
chip_gen: v7x
topology: tpu7x:2x2x1
jax: 0.10.2.dev20260603
libtpu: 0.0.44.dev20260713+nightly
codegen_flags: <defaults>
</compile_context>

<pallas_src>
import functools

import jax
import jax.numpy as jnp
from jax import lax
from jax.experimental import pallas as pl
from jax.experimental.pallas import tpu as pltpu
from jax.experimental.pallas import tpu_sc as plsc

NC = 2
NS = 16
CHUNK = 128
NBUF = 5


def _sc_scatter_add(src4, dst3, xt, cpw, acc_rows, n):
    dh = xt.shape[1]
    nvec = dh // 16
    zrows = acc_rows // NS
    wchunk = 80
    nwchunks = n // wchunk
    mesh = plsc.VectorSubcoreMesh(
        core_axis_name="c", subcore_axis_name="s", num_cores=NC, num_subcores=NS
    )

    @functools.partial(
        pl.kernel,
        mesh=mesh,
        compiler_params=pltpu.CompilerParams(use_tc_tiling_on_sc=False),
        out_type=jax.ShapeDtypeStruct((NC, n, dh), jnp.float32),
        scratch_types=[
            pltpu.VMEM((cpw, CHUNK), jnp.int32),
            pltpu.VMEM((cpw, CHUNK), jnp.int32),
            [pltpu.VMEM((CHUNK, dh), jnp.float32)] * NBUF,
            pltpu.VMEM_SHARED((acc_rows, dh), jnp.float32),
            [pltpu.SemaphoreType.DMA] * NBUF,
            [pltpu.SemaphoreType.DMA] * NBUF,
        ],
    )
    def k(src_hbm, dst_hbm, x_hbm, out_hbm, src_all, dst_all, rows, acc, gsem, ssem):
        cid = lax.axis_index("c")
        sid = lax.axis_index("s")

        pltpu.sync_copy(src_hbm.at[cid, sid], src_all)
        pltpu.sync_copy(dst_hbm.at[sid], dst_all)

        def zfill(r, carry):
            for c in range(nvec):
                rows[0][r, pl.ds(c * 16, 16)] = jnp.zeros((16,), jnp.float32)
            return carry

        lax.fori_loop(0, CHUNK, zfill, 0)
        for b in range(zrows // CHUNK):
            pltpu.sync_copy(rows[0], acc.at[pl.ds(sid * zrows + b * CHUNK, CHUNK)])
        plsc.subcore_barrier()

        def start_gather(j, b):
            pltpu.async_copy(x_hbm.at[src_all.at[j]], rows[b], gsem[b])

        def drain(sem, b):
            pltpu.make_async_copy(x_hbm.at[pl.ds(0, CHUNK)], rows[b], sem).wait()

        for b in range(3):
            start_gather(b, b)

        def gbody(g, carry):
            for b in range(NBUF):
                j = g * NBUF + b
                drain(gsem[b], b)
                pltpu.async_copy(rows[b], acc.at[dst_all.at[j]], ssem[b], add=True)
                jn = j + 3
                bn = (b + 3) % NBUF

                @pl.when(jn < cpw)
                def _():
                    @pl.when(jn >= NBUF)
                    def _():
                        drain(ssem[bn], bn)

                    start_gather(jn, bn)
            return carry

        lax.fori_loop(0, cpw // NBUF, gbody, 0)
        for b in range(NBUF):
            drain(ssem[b], b)
        plsc.subcore_barrier()

        def wbody(b, carry):
            t = b * NS + sid

            @pl.when(t < nwchunks)
            def _():
                r0 = t * wchunk
                pltpu.sync_copy(
                    acc.at[pl.ds(r0, wchunk)], rows[0].at[pl.ds(0, wchunk)]
                )
                pltpu.sync_copy(
                    rows[0].at[pl.ds(0, wchunk)], out_hbm.at[cid, pl.ds(r0, wchunk)]
                )

            return carry

        lax.fori_loop(0, -(-nwchunks // NS), wbody, 0)

    return k(src4, dst3, xt)


def kernel(edge_index, x):
    n, d = x.shape
    dh = d // 2
    e = edge_index.shape[1]
    src = edge_index[0].astype(jnp.int32)
    dst = edge_index[1].astype(jnp.int32)

    cpw = -(-e // (NS * CHUNK))
    cpw = -(-cpw // NBUF) * NBUF
    e_pad = cpw * CHUNK * NS
    acc_rows = -(-(n + 1) // (NS * CHUNK)) * (NS * CHUNK)

    pad = e_pad - e
    if pad:
        src = jnp.concatenate([src, jnp.zeros((pad,), jnp.int32)])
        dst = jnp.concatenate([dst, jnp.full((pad,), n, jnp.int32)])

    src3 = src.reshape(NS, cpw, CHUNK)
    src4 = jnp.stack([src3, src3 + n])
    dst3 = dst.reshape(NS, cpw, CHUNK)
    xt = x.reshape(n, 2, dh).transpose(1, 0, 2).reshape(2 * n, dh)
    out3 = _sc_scatter_add(src4, dst3, xt, cpw, acc_rows, n)
    return out3.transpose(1, 0, 2).reshape(n, d)

# --- scband reference (transcript-rebuilt; emitter-appended) ---
"""Pipeline reference for scband-message-passing-45887430590541 (READ-ONLY COPY).

The authoritative reference and input builder live on the scoring server;
editing this copy changes nothing except your own understanding.
"""

import jax, jax.numpy as jnp
import numpy as np

N_NODES = 10000
N_EDGES = 320000
D_FEAT = 128

def setup_inputs(seed: int = 0) -> dict:
    key = jax.random.key(seed)
    k1, k2 = jax.random.split(key)
    edge_index = jax.random.randint(k1, (2, N_EDGES), 0, N_NODES, dtype=jnp.int64)
    x = jax.random.normal(k2, (N_NODES, D_FEAT), dtype=jnp.float32)
    return {"edge_index": edge_index, "x": x}

def reference(edge_index, x):
    # flow='source_to_target' -> i=1 (target/dst), j=0 (source/src)
    src = edge_index[0]
    dst = edge_index[1]
    # message: x_j (gather source node features per edge)
    msg = jnp.take(x, src, axis=0)
    # aggregate: scatter-add messages into destination nodes (aggr='add')
    out = jax.ops.segment_sum(msg, dst, num_segments=x.shape[0])
    # update: identity
    return out

if __name__ == "__main__":
    import jax
    _d = setup_inputs()
    print(jax.jit(kernel)(*tuple(_d.values())))

</pallas_src>

<mosaic_0001>
#map = affine_map<(d0, d1) -> (0, 0, 0, 0)>
#map1 = affine_map<(d0, d1) -> (0, 0, 0)>
#map2 = affine_map<(d0, d1) -> (0, 0)>
module attributes {stable_mosaic.version = 14 : i64} {
  func.func @k(%arg0: i32, %arg1: i32, %arg2: memref<2x16x160x128xi32, #tpu.memory_space<hbm>>, %arg3: memref<16x160x128xi32, #tpu.memory_space<hbm>>, %arg4: memref<20000x64xf32, #tpu.memory_space<hbm>>, %arg5: memref<2x10000x64xf32, #tpu.memory_space<hbm>>, %arg6: memref<160x128xi32, #tpu.memory_space<vmem>>, %arg7: memref<160x128xi32, #tpu.memory_space<vmem>>, %arg8: memref<128x64xf32, #tpu.memory_space<vmem>>, %arg9: memref<128x64xf32, #tpu.memory_space<vmem>>, %arg10: memref<128x64xf32, #tpu.memory_space<vmem>>, %arg11: memref<128x64xf32, #tpu.memory_space<vmem>>, %arg12: memref<128x64xf32, #tpu.memory_space<vmem>>, %arg13: memref<10240x64xf32, #tpu.memory_space<vmem_shared>>, %arg14: memref<!tpu.dma_semaphore, #tpu.memory_space<semaphore_mem>>, %arg15: memref<!tpu.dma_semaphore, #tpu.memory_space<semaphore_mem>>, %arg16: memref<!tpu.dma_semaphore, #tpu.memory_space<semaphore_mem>>, %arg17: memref<!tpu.dma_semaphore, #tpu.memory_space<semaphore_mem>>, %arg18: memref<!tpu.dma_semaphore, #tpu.memory_space<semaphore_mem>>, %arg19: memref<!tpu.dma_semaphore, #tpu.memory_space<semaphore_mem>>, %arg20: memref<!tpu.dma_semaphore, #tpu.memory_space<semaphore_mem>>, %arg21: memref<!tpu.dma_semaphore, #tpu.memory_space<semaphore_mem>>, %arg22: memref<!tpu.dma_semaphore, #tpu.memory_space<semaphore_mem>>, %arg23: memref<!tpu.dma_semaphore, #tpu.memory_space<semaphore_mem>>) attributes {dimension_semantics = [#tpu.dimension_semantics<core_parallel>, #tpu.dimension_semantics<subcore_parallel>], iteration_bounds = array<i64: 2, 16>, scalar_prefetch = 0 : i64, scratch_operands = 18 : i64, tpu.core_type = #tpu.core_type<sc_vector_subcore>, window_params = [{transform_indices = #map}, {transform_indices = #map1}, {transform_indices = #map2}, {transform_indices = #map1}]} {
    "tpu.region"() ({
      %run_scoped3A = tpu.sem_alloc : memref<!tpu.dma_semaphore, #tpu.memory_space<semaphore_mem>>
      %dma_start3A_85 = arith.constant 0 : i32
      %dma_start3A_86 = arith.constant 0 : i32
      %dma_start3A_87 = tpu.memref_slice %arg2[%arg0, %arg1, %dma_start3A_85, %dma_start3A_86] : memref<2x16x160x128xi32, #tpu.memory_space<hbm>> -> memref<1x1x160x128xi32, #tpu.memory_space<hbm>>
      %dma_start3A_88 = tpu.memref_squeeze %dma_start3A_87 : memref<1x1x160x128xi32, #tpu.memory_space<hbm>> -> memref<160x128xi32, #tpu.memory_space<hbm>>
      %dma_start3A_89 = arith.constant 0 : i32
      %dma_start3A_90 = arith.constant 0 : i32
      %dma_start3A_91 = tpu.memref_slice %arg2[%arg0, %arg1, %dma_start3A_89, %dma_start3A_90] : memref<2x16x160x128xi32, #tpu.memory_space<hbm>> -> memref<1x1x160x128xi32, #tpu.memory_space<hbm>>
      %dma_start3A_92 = tpu.memref_squeeze %dma_start3A_91 : memref<1x1x160x128xi32, #tpu.memory_space<hbm>> -> memref<160x128xi32, #tpu.memory_space<hbm>>
      tpu.enqueue_dma source(%dma_start3A_92 : memref<160x128xi32, #tpu.memory_space<hbm>>) target(%arg6 : memref<160x128xi32, #tpu.memory_space<vmem>>) target_semaphore(%run_scoped3A : memref<!tpu.dma_semaphore, #tpu.memory_space<semaphore_mem>>)
      %dma_wait3A_93 = arith.constant 0 : i32
      %dma_wait3A_94 = arith.constant 0 : i32
      %dma_wait3A_95 = tpu.memref_slice %arg2[%arg0, %arg1, %dma_wait3A_93, %dma_wait3A_94] : memref<2x16x160x128xi32, #tpu.memory_space<hbm>> -> memref<1x1x160x128xi32, #tpu.memory_space<hbm>>
      %dma_wait3A_96 = tpu.memref_squeeze %dma_wait3A_95 : memref<1x1x160x128xi32, #tpu.memory_space<hbm>> -> memref<160x128xi32, #tpu.memory_space<hbm>>
      %dma_wait3A_97 = arith.constant 0 : i32
      %dma_wait3A_98 = arith.constant 0 : i32
      %dma_wait3A_99 = tpu.memref_slice %arg2[%arg0, %arg1, %dma_wait3A_97, %dma_wait3A_98] : memref<2x16x160x128xi32, #tpu.memory_space<hbm>> -> memref<1x1x160x128xi32, #tpu.memory_space<hbm>>
      %dma_wait3A_100 = tpu.memref_squeeze %dma_wait3A_99 : memref<1x1x160x128xi32, #tpu.memory_space<hbm>> -> memref<160x128xi32, #tpu.memory_space<hbm>>
      tpu.wait_dma2 semaphore(%run_scoped3A : memref<!tpu.dma_semaphore, #tpu.memory_space<semaphore_mem>>) src(%dma_wait3A_100 : memref<160x128xi32, #tpu.memory_space<hbm>>) dst(%arg6 : memref<160x128xi32, #tpu.memory_space<vmem>>)
      tpu.yield
    }) : () -> ()
    "tpu.region"() ({
      %run_scoped3A = tpu.sem_alloc : memref<!tpu.dma_semaphore, #tpu.memory_space<semaphore_mem>>
      %dma_start3A_85 = arith.constant 0 : i32
      %dma_start3A_86 = arith.constant 0 : i32
      %dma_start3A_87 = tpu.memref_slice %arg3[%arg1, %dma_start3A_85, %dma_start3A_86] : memref<16x160x128xi32, #tpu.memory_space<hbm>> -> memref<1x160x128xi32, #tpu.memory_space<hbm>>
      %dma_start3A_88 = tpu.memref_squeeze %dma_start3A_87 : memref<1x160x128xi32, #tpu.memory_space<hbm>> -> memref<160x128xi32, #tpu.memory_space<hbm>>
      %dma_start3A_89 = arith.constant 0 : i32
      %dma_start3A_90 = arith.constant 0 : i32
      %dma_start3A_91 = tpu.memref_slice %arg3[%arg1, %dma_start3A_89, %dma_start3A_90] : memref<16x160x128xi32, #tpu.memory_space<hbm>> -> memref<1x160x128xi32, #tpu.memory_space<hbm>>
      %dma_start3A_92 = tpu.memref_squeeze %dma_start3A_91 : memref<1x160x128xi32, #tpu.memory_space<hbm>> -> memref<160x128xi32, #tpu.memory_space<hbm>>
      tpu.enqueue_dma source(%dma_start3A_92 : memref<160x128xi32, #tpu.memory_space<hbm>>) target(%arg7 : memref<160x128xi32, #tpu.memory_space<vmem>>) target_semaphore(%run_scoped3A : memref<!tpu.dma_semaphore, #tpu.memory_space<semaphore_mem>>)
      %dma_wait3A_93 = arith.constant 0 : i32
      %dma_wait3A_94 = arith.constant 0 : i32
      %dma_wait3A_95 = tpu.memref_slice %arg3[%arg1, %dma_wait3A_93, %dma_wait3A_94] : memref<16x160x128xi32, #tpu.memory_space<hbm>> -> memref<1x160x128xi32, #tpu.memory_space<hbm>>
      %dma_wait3A_96 = tpu.memref_squeeze %dma_wait3A_95 : memref<1x160x128xi32, #tpu.memory_space<hbm>> -> memref<160x128xi32, #tpu.memory_space<hbm>>
      %dma_wait3A_97 = arith.constant 0 : i32
      %dma_wait3A_98 = arith.constant 0 : i32
      %dma_wait3A_99 = tpu.memref_slice %arg3[%arg1, %dma_wait3A_97, %dma_wait3A_98] : memref<16x160x128xi32, #tpu.memory_space<hbm>> -> memref<1x160x128xi32, #tpu.memory_space<hbm>>
      %dma_wait3A_100 = tpu.memref_squeeze %dma_wait3A_99 : memref<1x160x128xi32, #tpu.memory_space<hbm>> -> memref<160x128xi32, #tpu.memory_space<hbm>>
      tpu.wait_dma2 semaphore(%run_scoped3A : memref<!tpu.dma_semaphore, #tpu.memory_space<semaphore_mem>>) src(%dma_wait3A_100 : memref<160x128xi32, #tpu.memory_space<hbm>>) dst(%arg7 : memref<160x128xi32, #tpu.memory_space<vmem>>)
      tpu.yield
    }) : () -> ()
    %scan3A = arith.constant 0 : i32
    %scan3A_0 = arith.constant 0 : i32
    %scan3A_1 = arith.constant 128 : i32
    %scan3A_2 = arith.addi %scan3A_0, %scan3A_1 : i32
    %scan3A_3 = arith.constant 1 : i32
    scf.for %scan3A_85 = %scan3A_0 to %scan3A_2 step %scan3A_3  : i32 {
      %broadcast_in_dim3A = arith.constant 0.000000e+00 : f32
      %broadcast_in_dim3A_86 = vector.broadcast %broadcast_in_dim3A : f32 to vector<16xf32>
      %swap3A = arith.index_cast %scan3A_85 : i32 to index
      %swap3A_87 = arith.constant 0 : index
      %swap3A_88 = tpu.vector_load %arg8[%swap3A, %swap3A_87] {strides = array<i32>} : memref<128x64xf32, #tpu.memory_space<vmem>>, vector<1x16xf32>,
      %swap3A_89 = vector.shape_cast %swap3A_88 : vector<1x16xf32> to vector<16xf32>
      %swap3A_90 = vector.shape_cast %broadcast_in_dim3A_86 : vector<16xf32> to vector<1x16xf32>
      tpu.vector_store %arg8[%swap3A, %swap3A_87], %swap3A_90 {strides = array<i32>} : memref<128x64xf32, #tpu.memory_space<vmem>>, vector<1x16xf32>,
      %broadcast_in_dim3A_91 = arith.constant 0.000000e+00 : f32
      %broadcast_in_dim3A_92 = vector.broadcast %broadcast_in_dim3A_91 : f32 to vector<16xf32>
      %swap3A_93 = arith.index_cast %scan3A_85 : i32 to index
      %swap3A_94 = arith.constant 16 : index
      %swap3A_95 = tpu.vector_load %arg8[%swap3A_93, %swap3A_94] {strides = array<i32>} : memref<128x64xf32, #tpu.memory_space<vmem>>, vector<1x16xf32>,
      %swap3A_96 = vector.shape_cast %swap3A_95 : vector<1x16xf32> to vector<16xf32>
      %swap3A_97 = vector.shape_cast %broadcast_in_dim3A_92 : vector<16xf32> to vector<1x16xf32>
      tpu.vector_store %arg8[%swap3A_93, %swap3A_94], %swap3A_97 {strides = array<i32>} : memref<128x64xf32, #tpu.memory_space<vmem>>, vector<1x16xf32>,
      %broadcast_in_dim3A_98 = arith.constant 0.000000e+00 : f32
      %broadcast_in_dim3A_99 = vector.broadcast %broadcast_in_dim3A_98 : f32 to vector<16xf32>
      %swap3A_100 = arith.index_cast %scan3A_85 : i32 to index
      %swap3A_101 = arith.constant 32 : index
      %swap3A_102 = tpu.vector_load %arg8[%swap3A_100, %swap3A_101] {strides = array<i32>} : memref<128x64xf32, #tpu.memory_space<vmem>>, vector<1x16xf32>,
      %swap3A_103 = vector.shape_cast %swap3A_102 : vector<1x16xf32> to vector<16xf32>
      %swap3A_104 = vector.shape_cast %broadcast_in_dim3A_99 : vector<16xf32> to vector<1x16xf32>
      tpu.vector_store %arg8[%swap3A_100, %swap3A_101], %swap3A_104 {strides = array<i32>} : memref<128x64xf32, #tpu.memory_space<vmem>>, vector<1x16xf32>,
      %broadcast_in_dim3A_105 = arith.constant 0.000000e+00 : f32
      %broadcast_in_dim3A_106 = vector.broadcast %broadcast_in_dim3A_105 : f32 to vector<16xf32>
      %swap3A_107 = arith.index_cast %scan3A_85 : i32 to index
      %swap3A_108 = arith.constant 48 : index
      %swap3A_109 = tpu.vector_load %arg8[%swap3A_107, %swap3A_108] {strides = array<i32>} : memref<128x64xf32, #tpu.memory_space<vmem>>, vector<1x16xf32>,
      %swap3A_110 = vector.shape_cast %swap3A_109 : vector<1x16xf32> to vector<16xf32>
      %swap3A_111 = vector.shape_cast %broadcast_in_dim3A_106 : vector<16xf32> to vector<1x16xf32>
      tpu.vector_store %arg8[%swap3A_107, %swap3A_108], %swap3A_111 {strides = array<i32>} : memref<128x64xf32, #tpu.memory_space<vmem>>, vector<1x16xf32>,
    }
    %scan3A_4 = arith.constant 128 : i32
    %mul3A = arith.constant 640 : i32
    %mul3A_5 = arith.muli %arg1, %mul3A : i32
    %add3A = arith.constant 0 : i32
    %add3A_6 = arith.addi %mul3A_5, %add3A : i32
    "tpu.region"() ({
      %run_scoped3A = tpu.sem_alloc : memref<!tpu.dma_semaphore, #tpu.memory_space<semaphore_mem>>
      %dma_start3A_85 = arith.constant 0 : i32
      %dma_start3A_86 = tpu.memref_slice %arg13[%add3A_6, %dma_start3A_85] : memref<10240x64xf32, #tpu.memory_space<vmem_shared>> -> memref<128x64xf32, #tpu.memory_space<vmem_shared>>
      %dma_start3A_87 = arith.constant 0 : i32
      %dma_start3A_88 = tpu.memref_slice %arg13[%add3A_6, %dma_start3A_87] : memref<10240x64xf32, #tpu.memory_space<vmem_shared>> -> memref<128x64xf32, #tpu.memory_space<vmem_shared>>
      tpu.enqueue_dma source(%arg8 : memref<128x64xf32, #tpu.memory_space<vmem>>) target(%dma_start3A_88 : memref<128x64xf32, #tpu.memory_space<vmem_shared>>) target_semaphore(%run_scoped3A : memref<!tpu.dma_semaphore, #tpu.memory_space<semaphore_mem>>)
      %dma_wait3A_89 = arith.constant 0 : i32
      %dma_wait3A_90 = tpu.memref_slice %arg13[%add3A_6, %dma_wait3A_89] : memref<10240x64xf32, #tpu.memory_space<vmem_shared>> -> memref<128x64xf32, #tpu.memory_space<vmem_shared>>
      %dma_wait3A_91 = arith.constant 0 : i32
      %dma_wait3A_92 = tpu.memref_slice %arg13[%add3A_6, %dma_wait3A_91] : memref<10240x64xf32, #tpu.memory_space<vmem_shared>> -> memref<128x64xf32, #tpu.memory_space<vmem_shared>>
      tpu.wait_dma2 semaphore(%run_scoped3A : memref<!tpu.dma_semaphore, #tpu.memory_space<semaphore_mem>>) src(%arg8 : memref<128x64xf32, #tpu.memory_space<vmem>>) dst(%dma_wait3A_92 : memref<128x64xf32, #tpu.memory_space<vmem_shared>>)
      tpu.yield
    }) : () -> ()
    %mul3A_7 = arith.constant 640 : i32
    %mul3A_8 = arith.muli %arg1, %mul3A_7 : i32
    %add3A_9 = arith.constant 128 : i32
    %add3A_10 = arith.addi %mul3A_8, %add3A_9 : i32
    "tpu.region"() ({
      %run_scoped3A = tpu.sem_alloc : memref<!tpu.dma_semaphore, #tpu.memory_space<semaphore_mem>>
      %dma_start3A_85 = arith.constant 0 : i32
      %dma_start3A_86 = tpu.memref_slice %arg13[%add3A_10, %dma_start3A_85] : memref<10240x64xf32, #tpu.memory_space<vmem_shared>> -> memref<128x64xf32, #tpu.memory_space<vmem_shared>>
      %dma_start3A_87 = arith.constant 0 : i32
      %dma_start3A_88 = tpu.memref_slice %arg13[%add3A_10, %dma_start3A_87] : memref<10240x64xf32, #tpu.memory_space<vmem_shared>> -> memref<128x64xf32, #tpu.memory_space<vmem_shared>>
      tpu.enqueue_dma source(%arg8 : memref<128x64xf32, #tpu.memory_space<vmem>>) target(%dma_start3A_88 : memref<128x64xf32, #tpu.memory_space<vmem_shared>>) target_semaphore(%run_scoped3A : memref<!tpu.dma_semaphore, #tpu.memory_space<semaphore_mem>>)
      %dma_wait3A_89 = arith.constant 0 : i32
      %dma_wait3A_90 = tpu.memref_slice %arg13[%add3A_10, %dma_wait3A_89] : memref<10240x64xf32, #tpu.memory_space<vmem_shared>> -> memref<128x64xf32, #tpu.memory_space<vmem_shared>>
      %dma_wait3A_91 = arith.constant 0 : i32
      %dma_wait3A_92 = tpu.memref_slice %arg13[%add3A_10, %dma_wait3A_91] : memref<10240x64xf32, #tpu.memory_space<vmem_shared>> -> memref<128x64xf32, #tpu.memory_space<vmem_shared>>
      tpu.wait_dma2 semaphore(%run_scoped3A : memref<!tpu.dma_semaphore, #tpu.memory_space<semaphore_mem>>) src(%arg8 : memref<128x64xf32, #tpu.memory_space<vmem>>) dst(%dma_wait3A_92 : memref<128x64xf32, #tpu.memory_space<vmem_shared>>)
      tpu.yield
    }) : () -> ()
    %mul3A_11 = arith.constant 640 : i32
    %mul3A_12 = arith.muli %arg1, %mul3A_11 : i32
    %add3A_13 = arith.constant 256 : i32
    %add3A_14 = arith.addi %mul3A_12, %add3A_13 : i32
    "tpu.region"() ({
      %run_scoped3A = tpu.sem_alloc : memref<!tpu.dma_semaphore, #tpu.memory_space<semaphore_mem>>
      %dma_start3A_85 = arith.constant 0 : i32
      %dma_start3A_86 = tpu.memref_slice %arg13[%add3A_14, %dma_start3A_85] : memref<10240x64xf32, #tpu.memory_space<vmem_shared>> -> memref<128x64xf32, #tpu.memory_space<vmem_shared>>
      %dma_start3A_87 = arith.constant 0 : i32
      %dma_start3A_88 = tpu.memref_slice %arg13[%add3A_14, %dma_start3A_87] : memref<10240x64xf32, #tpu.memory_space<vmem_shared>> -> memref<128x64xf32, #tpu.memory_space<vmem_shared>>
      tpu.enqueue_dma source(%arg8 : memref<128x64xf32, #tpu.memory_space<vmem>>) target(%dma_start3A_88 : memref<128x64xf32, #tpu.memory_space<vmem_shared>>) target_semaphore(%run_scoped3A : memref<!tpu.dma_semaphore, #tpu.memory_space<semaphore_mem>>)
      %dma_wait3A_89 = arith.constant 0 : i32
      %dma_wait3A_90 = tpu.memref_slice %arg13[%add3A_14, %dma_wait3A_89] : memref<10240x64xf32, #tpu.memory_space<vmem_shared>> -> memref<128x64xf32, #tpu.memory_space<vmem_shared>>
      %dma_wait3A_91 = arith.constant 0 : i32
      %dma_wait3A_92 = tpu.memref_slice %arg13[%add3A_14, %dma_wait3A_91] : memref<10240x64xf32, #tpu.memory_space<vmem_shared>> -> memref<128x64xf32, #tpu.memory_space<vmem_shared>>
      tpu.wait_dma2 semaphore(%run_scoped3A : memref<!tpu.dma_semaphore, #tpu.memory_space<semaphore_mem>>) src(%arg8 : memref<128x64xf32, #tpu.memory_space<vmem>>) dst(%dma_wait3A_92 : memref<128x64xf32, #tpu.memory_space<vmem_shared>>)
      tpu.yield
    }) : () -> ()
    %mul3A_15 = arith.constant 640 : i32
    %mul3A_16 = arith.muli %arg1, %mul3A_15 : i32
    %add3A_17 = arith.constant 384 : i32
    %add3A_18 = arith.addi %mul3A_16, %add3A_17 : i32
    "tpu.region"() ({
      %run_scoped3A = tpu.sem_alloc : memref<!tpu.dma_semaphore, #tpu.memory_space<semaphore_mem>>
      %dma_start3A_85 = arith.constant 0 : i32
      %dma_start3A_86 = tpu.memref_slice %arg13[%add3A_18, %dma_start3A_85] : memref<10240x64xf32, #tpu.memory_space<vmem_shared>> -> memref<128x64xf32, #tpu.memory_space<vmem_shared>>
      %dma_start3A_87 = arith.constant 0 : i32
      %dma_start3A_88 = tpu.memref_slice %arg13[%add3A_18, %dma_start3A_87] : memref<10240x64xf32, #tpu.memory_space<vmem_shared>> -> memref<128x64xf32, #tpu.memory_space<vmem_shared>>
      tpu.enqueue_dma source(%arg8 : memref<128x64xf32, #tpu.memory_space<vmem>>) target(%dma_start3A_88 : memref<128x64xf32, #tpu.memory_space<vmem_shared>>) target_semaphore(%run_scoped3A : memref<!tpu.dma_semaphore, #tpu.memory_space<semaphore_mem>>)
      %dma_wait3A_89 = arith.constant 0 : i32
      %dma_wait3A_90 = tpu.memref_slice %arg13[%add3A_18, %dma_wait3A_89] : memref<10240x64xf32, #tpu.memory_space<vmem_shared>> -> memref<128x64xf32, #tpu.memory_space<vmem_shared>>
      %dma_wait3A_91 = arith.constant 0 : i32
      %dma_wait3A_92 = tpu.memref_slice %arg13[%add3A_18, %dma_wait3A_91] : memref<10240x64xf32, #tpu.memory_space<vmem_shared>> -> memref<128x64xf32, #tpu.memory_space<vmem_shared>>
      tpu.wait_dma2 semaphore(%run_scoped3A : memref<!tpu.dma_semaphore, #tpu.memory_space<semaphore_mem>>) src(%arg8 : memref<128x64xf32, #tpu.memory_space<vmem>>) dst(%dma_wait3A_92 : memref<128x64xf32, #tpu.memory_space<vmem_shared>>)
      tpu.yield
    }) : () -> ()
    %mul3A_19 = arith.constant 640 : i32
    %mul3A_20 = arith.muli %arg1, %mul3A_19 : i32
    %add3A_21 = arith.constant 512 : i32
    %add3A_22 = arith.addi %mul3A_20, %add3A_21 : i32
    "tpu.region"() ({
      %run_scoped3A = tpu.sem_alloc : memref<!tpu.dma_semaphore, #tpu.memory_space<semaphore_mem>>
      %dma_start3A_85 = arith.constant 0 : i32
      %dma_start3A_86 = tpu.memref_slice %arg13[%add3A_22, %dma_start3A_85] : memref<10240x64xf32, #tpu.memory_space<vmem_shared>> -> memref<128x64xf32, #tpu.memory_space<vmem_shared>>
      %dma_start3A_87 = arith.constant 0 : i32
      %dma_start3A_88 = tpu.memref_slice %arg13[%add3A_22, %dma_start3A_87] : memref<10240x64xf32, #tpu.memory_space<vmem_shared>> -> memref<128x64xf32, #tpu.memory_space<vmem_shared>>
      tpu.enqueue_dma source(%arg8 : memref<128x64xf32, #tpu.memory_space<vmem>>) target(%dma_start3A_88 : memref<128x64xf32, #tpu.memory_space<vmem_shared>>) target_semaphore(%run_scoped3A : memref<!tpu.dma_semaphore, #tpu.memory_space<semaphore_mem>>)
      %dma_wait3A_89 = arith.constant 0 : i32
      %dma_wait3A_90 = tpu.memref_slice %arg13[%add3A_22, %dma_wait3A_89] : memref<10240x64xf32, #tpu.memory_space<vmem_shared>> -> memref<128x64xf32, #tpu.memory_space<vmem_shared>>
      %dma_wait3A_91 = arith.constant 0 : i32
      %dma_wait3A_92 = tpu.memref_slice %arg13[%add3A_22, %dma_wait3A_91] : memref<10240x64xf32, #tpu.memory_space<vmem_shared>> -> memref<128x64xf32, #tpu.memory_space<vmem_shared>>
      tpu.wait_dma2 semaphore(%run_scoped3A : memref<!tpu.dma_semaphore, #tpu.memory_space<semaphore_mem>>) src(%arg8 : memref<128x64xf32, #tpu.memory_space<vmem>>) dst(%dma_wait3A_92 : memref<128x64xf32, #tpu.memory_space<vmem_shared>>)
      tpu.yield
    }) : () -> ()
    %barrier3A = arith.constant 0 : index
    tpu.barrier barrier_id(%barrier3A)
    %dma_start3A = arith.constant 0 : i32
    %dma_start3A_23 = arith.constant 0 : i32
    %dma_start3A_24 = tpu.memref_slice %arg6[%dma_start3A, %dma_start3A_23] : memref<160x128xi32, #tpu.memory_space<vmem>> -> memref<1x128xi32, #tpu.memory_space<vmem>>
    %dma_start3A_25 = tpu.memref_squeeze %dma_start3A_24 : memref<1x128xi32, #tpu.memory_space<vmem>> -> memref<128xi32, #tpu.memory_space<vmem>>
    %dma_start3A_26 = arith.constant 0 : i32
    %dma_start3A_27 = arith.constant 0 : i32
    %dma_start3A_28 = tpu.memref_slice %arg4[%dma_start3A_26, %dma_start3A_27] : memref<20000x64xf32, #tpu.memory_space<hbm>> -> memref<20000x64xf32, #tpu.memory_space<hbm>>
    tpu.enqueue_indirect_dma source(%dma_start3A_28 : memref<20000x64xf32, #tpu.memory_space<hbm>>) target(%arg8 : memref<128x64xf32, #tpu.memory_space<vmem>>) offsets(%dma_start3A_25 : memref<128xi32, #tpu.memory_space<vmem>>) semaphore(%arg14 : memref<!tpu.dma_semaphore, #tpu.memory_space<semaphore_mem>>)
    %dma_start3A_29 = arith.constant 1 : i32
    %dma_start3A_30 = arith.constant 0 : i32
    %dma_start3A_31 = tpu.memref_slice %arg6[%dma_start3A_29, %dma_start3A_30] : memref<160x128xi32, #tpu.memory_space<vmem>> -> memref<1x128xi32, #tpu.memory_space<vmem>>
    %dma_start3A_32 = tpu.memref_squeeze %dma_start3A_31 : memref<1x128xi32, #tpu.memory_space<vmem>> -> memref<128xi32, #tpu.memory_space<vmem>>
    %dma_start3A_33 = arith.constant 0 : i32
    %dma_start3A_34 = arith.constant 0 : i32
    %dma_start3A_35 = tpu.memref_slice %arg4[%dma_start3A_33, %dma_start3A_34] : memref<20000x64xf32, #tpu.memory_space<hbm>> -> memref<20000x64xf32, #tpu.memory_space<hbm>>
    tpu.enqueue_indirect_dma source(%dma_start3A_35 : memref<20000x64xf32, #tpu.memory_space<hbm>>) target(%arg9 : memref<128x64xf32, #tpu.memory_space<vmem>>) offsets(%dma_start3A_32 : memref<128xi32, #tpu.memory_space<vmem>>) semaphore(%arg15 : memref<!tpu.dma_semaphore, #tpu.memory_space<semaphore_mem>>)
    %dma_start3A_36 = arith.constant 2 : i32
    %dma_start3A_37 = arith.constant 0 : i32
    %dma_start3A_38 = tpu.memref_slice %arg6[%dma_start3A_36, %dma_start3A_37] : memref<160x128xi32, #tpu.memory_space<vmem>> -> memref<1x128xi32, #tpu.memory_space<vmem>>
    %dma_start3A_39 = tpu.memref_squeeze %dma_start3A_38 : memref<1x128xi32, #tpu.memory_space<vmem>> -> memref<128xi32, #tpu.memory_space<vmem>>
    %dma_start3A_40 = arith.constant 0 : i32
    %dma_start3A_41 = arith.constant 0 : i32
    %dma_start3A_42 = tpu.memref_slice %arg4[%dma_start3A_40, %dma_start3A_41] : memref<20000x64xf32, #tpu.memory_space<hbm>> -> memref<20000x64xf32, #tpu.memory_space<hbm>>
    tpu.enqueue_indirect_dma source(%dma_start3A_42 : memref<20000x64xf32, #tpu.memory_space<hbm>>) target(%arg10 : memref<128x64xf32, #tpu.memory_space<vmem>>) offsets(%dma_start3A_39 : memref<128xi32, #tpu.memory_space<vmem>>) semaphore(%arg16 : memref<!tpu.dma_semaphore, #tpu.memory_space<semaphore_mem>>)
    %scan3A_43 = arith.constant 0 : i32
    %scan3A_44 = arith.constant 0 : i32
    %scan3A_45 = arith.constant 32 : i32
    %scan3A_46 = arith.addi %scan3A_44, %scan3A_45 : i32
    %scan3A_47 = arith.constant 1 : i32
    scf.for %scan3A_85 = %scan3A_44 to %scan3A_46 step %scan3A_47  : i32 {
      %mul3A_86 = arith.constant 5 : i32
      %mul3A_87 = arith.muli %scan3A_85, %mul3A_86 : i32
      %add3A_88 = arith.constant 0 : i32
      %add3A_89 = arith.addi %mul3A_87, %add3A_88 : i32
      %dma_wait3A_90 = arith.constant 0 : i32
      %dma_wait3A_91 = arith.constant 0 : i32
      %dma_wait3A_92 = tpu.memref_slice %arg4[%dma_wait3A_90, %dma_wait3A_91] : memref<20000x64xf32, #tpu.memory_space<hbm>> -> memref<128x64xf32, #tpu.memory_space<hbm>>
      %dma_wait3A_93 = arith.constant 0 : i32
      %dma_wait3A_94 = arith.constant 0 : i32
      %dma_wait3A_95 = tpu.memref_slice %arg4[%dma_wait3A_93, %dma_wait3A_94] : memref<20000x64xf32, #tpu.memory_space<hbm>> -> memref<128x64xf32, #tpu.memory_space<hbm>>
      tpu.wait_dma2 semaphore(%arg14 : memref<!tpu.dma_semaphore, #tpu.memory_space<semaphore_mem>>) src(%dma_wait3A_95 : memref<128x64xf32, #tpu.memory_space<hbm>>) dst(%arg8 : memref<128x64xf32, #tpu.memory_space<vmem>>)
      %dma_start3A_96 = arith.constant 0 : i32
      %dma_start3A_97 = tpu.memref_slice %arg7[%add3A_89, %dma_start3A_96] : memref<160x128xi32, #tpu.memory_space<vmem>> -> memref<1x128xi32, #tpu.memory_space<vmem>>
      %dma_start3A_98 = tpu.memref_squeeze %dma_start3A_97 : memref<1x128xi32, #tpu.memory_space<vmem>> -> memref<128xi32, #tpu.memory_space<vmem>>
      %dma_start3A_99 = arith.constant 0 : i32
      %dma_start3A_100 = arith.constant 0 : i32
      %dma_start3A_101 = tpu.memref_slice %arg13[%dma_start3A_99, %dma_start3A_100] : memref<10240x64xf32, #tpu.memory_space<vmem_shared>> -> memref<10240x64xf32, #tpu.memory_space<vmem_shared>>
      tpu.enqueue_indirect_dma source(%arg8 : memref<128x64xf32, #tpu.memory_space<vmem>>) target(%dma_start3A_101 : memref<10240x64xf32, #tpu.memory_space<vmem_shared>>) offsets(%dma_start3A_98 : memref<128xi32, #tpu.memory_space<vmem>>) semaphore(%arg19 : memref<!tpu.dma_semaphore, #tpu.memory_space<semaphore_mem>>) {add = true}
      %add3A_102 = arith.constant 3 : i32
      %add3A_103 = arith.addi %add3A_89, %add3A_102 : i32
      %lt3A = arith.constant 160 : i32
      %lt3A_104 = arith.cmpi slt, %add3A_103, %lt3A : i32
      %convert_element_type3A = arith.extui %lt3A_104 : i1 to i32
      %cond3A = arith.constant 0 : i32
      %cond3A_105 = arith.cmpi ne, %convert_element_type3A, %cond3A : i32
      scf.if %cond3A_105 {
        %ge3A = arith.constant 5 : i32
        %ge3A_198 = arith.cmpi sge, %add3A_103, %ge3A : i32
        %convert_element_type3A_199 = arith.extui %ge3A_198 : i1 to i32
        %cond3A_200 = arith.constant 0 : i32
        %cond3A_201 = arith.cmpi ne, %convert_element_type3A_199, %cond3A_200 : i32
        scf.if %cond3A_201 {
          %dma_wait3A_208 = arith.constant 0 : i32
          %dma_wait3A_209 = arith.constant 0 : i32
          %dma_wait3A_210 = tpu.memref_slice %arg4[%dma_wait3A_208, %dma_wait3A_209] : memref<20000x64xf32, #tpu.memory_space<hbm>> -> memref<128x64xf32, #tpu.memory_space<hbm>>
          %dma_wait3A_211 = arith.constant 0 : i32
          %dma_wait3A_212 = arith.constant 0 : i32
          %dma_wait3A_213 = tpu.memref_slice %arg4[%dma_wait3A_211, %dma_wait3A_212] : memref<20000x64xf32, #tpu.memory_space<hbm>> -> memref<128x64xf32, #tpu.memory_space<hbm>>
          tpu.wait_dma2 semaphore(%arg22 : memref<!tpu.dma_semaphore, #tpu.memory_space<semaphore_mem>>) src(%dma_wait3A_213 : memref<128x64xf32, #tpu.memory_space<hbm>>) dst(%arg11 : memref<128x64xf32, #tpu.memory_space<vmem>>)
        } else {
        }
        %dma_start3A_202 = arith.constant 0 : i32
        %dma_start3A_203 = tpu.memref_slice %arg6[%add3A_103, %dma_start3A_202] : memref<160x128xi32, #tpu.memory_space<vmem>> -> memref<1x128xi32, #tpu.memory_space<vmem>>
        %dma_start3A_204 = tpu.memref_squeeze %dma_start3A_203 : memref<1x128xi32, #tpu.memory_space<vmem>> -> memref<128xi32, #tpu.memory_space<vmem>>
        %dma_start3A_205 = arith.constant 0 : i32
        %dma_start3A_206 = arith.constant 0 : i32
        %dma_start3A_207 = tpu.memref_slice %arg4[%dma_start3A_205, %dma_start3A_206] : memref<20000x64xf32, #tpu.memory_space<hbm>> -> memref<20000x64xf32, #tpu.memory_space<hbm>>
        tpu.enqueue_indirect_dma source(%dma_start3A_207 : memref<20000x64xf32, #tpu.memory_space<hbm>>) target(%arg11 : memref<128x64xf32, #tpu.memory_space<vmem>>) offsets(%dma_start3A_204 : memref<128xi32, #tpu.memory_space<vmem>>) semaphore(%arg17 : memref<!tpu.dma_semaphore, #tpu.memory_space<semaphore_mem>>)
      } else {
      }
      %mul3A_106 = arith.constant 5 : i32
      %mul3A_107 = arith.muli %scan3A_85, %mul3A_106 : i32
      %add3A_108 = arith.constant 1 : i32
      %add3A_109 = arith.addi %mul3A_107, %add3A_108 : i32
      %dma_wait3A_110 = arith.constant 0 : i32
      %dma_wait3A_111 = arith.constant 0 : i32
      %dma_wait3A_112 = tpu.memref_slice %arg4[%dma_wait3A_110, %dma_wait3A_111] : memref<20000x64xf32, #tpu.memory_space<hbm>> -> memref<128x64xf32, #tpu.memory_space<hbm>>
      %dma_wait3A_113 = arith.constant 0 : i32
      %dma_wait3A_114 = arith.constant 0 : i32
      %dma_wait3A_115 = tpu.memref_slice %arg4[%dma_wait3A_113, %dma_wait3A_114] : memref<20000x64xf32, #tpu.memory_space<hbm>> -> memref<128x64xf32, #tpu.memory_space<hbm>>
      tpu.wait_dma2 semaphore(%arg15 : memref<!tpu.dma_semaphore, #tpu.memory_space<semaphore_mem>>) src(%dma_wait3A_115 : memref<128x64xf32, #tpu.memory_space<hbm>>) dst(%arg9 : memref<128x64xf32, #tpu.memory_space<vmem>>)
      %dma_start3A_116 = arith.constant 0 : i32
      %dma_start3A_117 = tpu.memref_slice %arg7[%add3A_109, %dma_start3A_116] : memref<160x128xi32, #tpu.memory_space<vmem>> -> memref<1x128xi32, #tpu.memory_space<vmem>>
      %dma_start3A_118 = tpu.memref_squeeze %dma_start3A_117 : memref<1x128xi32, #tpu.memory_space<vmem>> -> memref<128xi32, #tpu.memory_space<vmem>>
      %dma_start3A_119 = arith.constant 0 : i32
      %dma_start3A_120 = arith.constant 0 : i32
      %dma_start3A_121 = tpu.memref_slice %arg13[%dma_start3A_119, %dma_start3A_120] : memref<10240x64xf32, #tpu.memory_space<vmem_shared>> -> memref<10240x64xf32, #tpu.memory_space<vmem_shared>>
      tpu.enqueue_indirect_dma source(%arg9 : memref<128x64xf32, #tpu.memory_space<vmem>>) target(%dma_start3A_121 : memref<10240x64xf32, #tpu.memory_space<vmem_shared>>) offsets(%dma_start3A_118 : memref<128xi32, #tpu.memory_space<vmem>>) semaphore(%arg20 : memref<!tpu.dma_semaphore, #tpu.memory_space<semaphore_mem>>) {add = true}
      %add3A_122 = arith.constant 3 : i32
      %add3A_123 = arith.addi %add3A_109, %add3A_122 : i32
      %lt3A_124 = arith.constant 160 : i32
      %lt3A_125 = arith.cmpi slt, %add3A_123, %lt3A_124 : i32
      %convert_element_type3A_126 = arith.extui %lt3A_125 : i1 to i32
      %cond3A_127 = arith.constant 0 : i32
      %cond3A_128 = arith.cmpi ne, %convert_element_type3A_126, %cond3A_127 : i32
      scf.if %cond3A_128 {
        %ge3A = arith.constant 5 : i32
        %ge3A_198 = arith.cmpi sge, %add3A_123, %ge3A : i32
        %convert_element_type3A_199 = arith.extui %ge3A_198 : i1 to i32
        %cond3A_200 = arith.constant 0 : i32
        %cond3A_201 = arith.cmpi ne, %convert_element_type3A_199, %cond3A_200 : i32
        scf.if %cond3A_201 {
          %dma_wait3A_208 = arith.constant 0 : i32
          %dma_wait3A_209 = arith.constant 0 : i32
          %dma_wait3A_210 = tpu.memref_slice %arg4[%dma_wait3A_208, %dma_wait3A_209] : memref<20000x64xf32, #tpu.memory_space<hbm>> -> memref<128x64xf32, #tpu.memory_space<hbm>>
          %dma_wait3A_211 = arith.constant 0 : i32
          %dma_wait3A_212 = arith.constant 0 : i32
          %dma_wait3A_213 = tpu.memref_slice %arg4[%dma_wait3A_211, %dma_wait3A_212] : memref<20000x64xf32, #tpu.memory_space<hbm>> -> memref<128x64xf32, #tpu.memory_space<hbm>>
          tpu.wait_dma2 semaphore(%arg23 : memref<!tpu.dma_semaphore, #tpu.memory_space<semaphore_mem>>) src(%dma_wait3A_213 : memref<128x64xf32, #tpu.memory_space<hbm>>) dst(%arg12 : memref<128x64xf32, #tpu.memory_space<vmem>>)
        } else {
        }
        %dma_start3A_202 = arith.constant 0 : i32
        %dma_start3A_203 = tpu.memref_slice %arg6[%add3A_123, %dma_start3A_202] : memref<160x128xi32, #tpu.memory_space<vmem>> -> memref<1x128xi32, #tpu.memory_space<vmem>>
        %dma_start3A_204 = tpu.memref_squeeze %dma_start3A_203 : memref<1x128xi32, #tpu.memory_space<vmem>> -> memref<128xi32, #tpu.memory_space<vmem>>
        %dma_start3A_205 = arith.constant 0 : i32
        %dma_start3A_206 = arith.constant 0 : i32
        %dma_start3A_207 = tpu.memref_slice %arg4[%dma_start3A_205, %dma_start3A_206] : memref<20000x64xf32, #tpu.memory_space<hbm>> -> memref<20000x64xf32, #tpu.memory_space<hbm>>
        tpu.enqueue_indirect_dma source(%dma_start3A_207 : memref<20000x64xf32, #tpu.memory_space<hbm>>) target(%arg12 : memref<128x64xf32, #tpu.memory_space<vmem>>) offsets(%dma_start3A_204 : memref<128xi32, #tpu.memory_space<vmem>>) semaphore(%arg18 : memref<!tpu.dma_semaphore, #tpu.memory_space<semaphore_mem>>)
      } else {
      }
      %mul3A_129 = arith.constant 5 : i32
      %mul3A_130 = arith.muli %scan3A_85, %mul3A_129 : i32
      %add3A_131 = arith.constant 2 : i32
      %add3A_132 = arith.addi %mul3A_130, %add3A_131 : i32
      %dma_wait3A_133 = arith.constant 0 : i32
      %dma_wait3A_134 = arith.constant 0 : i32
      %dma_wait3A_135 = tpu.memref_slice %arg4[%dma_wait3A_133, %dma_wait3A_134] : memref<20000x64xf32, #tpu.memory_space<hbm>> -> memref<128x64xf32, #tpu.memory_space<hbm>>
      %dma_wait3A_136 = arith.constant 0 : i32
      %dma_wait3A_137 = arith.constant 0 : i32
      %dma_wait3A_138 = tpu.memref_slice %arg4[%dma_wait3A_136, %dma_wait3A_137] : memref<20000x64xf32, #tpu.memory_space<hbm>> -> memref<128x64xf32, #tpu.memory_space<hbm>>
      tpu.wait_dma2 semaphore(%arg16 : memref<!tpu.dma_semaphore, #tpu.memory_space<semaphore_mem>>) src(%dma_wait3A_138 : memref<128x64xf32, #tpu.memory_space<hbm>>) dst(%arg10 : memref<128x64xf32, #tpu.memory_space<vmem>>)
      %dma_start3A_139 = arith.constant 0 : i32
      %dma_start3A_140 = tpu.memref_slice %arg7[%add3A_132, %dma_start3A_139] : memref<160x128xi32, #tpu.memory_space<vmem>> -> memref<1x128xi32, #tpu.memory_space<vmem>>
      %dma_start3A_141 = tpu.memref_squeeze %dma_start3A_140 : memref<1x128xi32, #tpu.memory_space<vmem>> -> memref<128xi32, #tpu.memory_space<vmem>>
      %dma_start3A_142 = arith.constant 0 : i32
      %dma_start3A_143 = arith.constant 0 : i32
      %dma_start3A_144 = tpu.memref_slice %arg13[%dma_start3A_142, %dma_start3A_143] : memref<10240x64xf32, #tpu.memory_space<vmem_shared>> -> memref<10240x64xf32, #tpu.memory_space<vmem_shared>>
      tpu.enqueue_indirect_dma source(%arg10 : memref<128x64xf32, #tpu.memory_space<vmem>>) target(%dma_start3A_144 : memref<10240x64xf32, #tpu.memory_space<vmem_shared>>) offsets(%dma_start3A_141 : memref<128xi32, #tpu.memory_space<vmem>>) semaphore(%arg21 : memref<!tpu.dma_semaphore, #tpu.memory_space<semaphore_mem>>) {add = true}
      %add3A_145 = arith.constant 3 : i32
      %add3A_146 = arith.addi %add3A_132, %add3A_145 : i32
      %lt3A_147 = arith.constant 160 : i32
      %lt3A_148 = arith.cmpi slt, %add3A_146, %lt3A_147 : i32
      %convert_element_type3A_149 = arith.extui %lt3A_148 : i1 to i32
      %cond3A_150 = arith.constant 0 : i32
      %cond3A_151 = arith.cmpi ne, %convert_element_type3A_149, %cond3A_150 : i32
      scf.if %cond3A_151 {
        %ge3A = arith.constant 5 : i32
        %ge3A_198 = arith.cmpi sge, %add3A_146, %ge3A : i32
        %convert_element_type3A_199 = arith.extui %ge3A_198 : i1 to i32
        %cond3A_200 = arith.constant 0 : i32
        %cond3A_201 = arith.cmpi ne, %convert_element_type3A_199, %cond3A_200 : i32
        scf.if %cond3A_201 {
          %dma_wait3A_208 = arith.constant 0 : i32
          %dma_wait3A_209 = arith.constant 0 : i32
          %dma_wait3A_210 = tpu.memref_slice %arg4[%dma_wait3A_208, %dma_wait3A_209] : memref<20000x64xf32, #tpu.memory_space<hbm>> -> memref<128x64xf32, #tpu.memory_space<hbm>>
          %dma_wait3A_211 = arith.constant 0 : i32
          %dma_wait3A_212 = arith.constant 0 : i32
          %dma_wait3A_213 = tpu.memref_slice %arg4[%dma_wait3A_211, %dma_wait3A_212] : memref<20000x64xf32, #tpu.memory_space<hbm>> -> memref<128x64xf32, #tpu.memory_space<hbm>>
          tpu.wait_dma2 semaphore(%arg19 : memref<!tpu.dma_semaphore, #tpu.memory_space<semaphore_mem>>) src(%dma_wait3A_213 : memref<128x64xf32, #tpu.memory_space<hbm>>) dst(%arg8 : memref<128x64xf32, #tpu.memory_space<vmem>>)
        } else {
        }
        %dma_start3A_202 = arith.constant 0 : i32
        %dma_start3A_203 = tpu.memref_slice %arg6[%add3A_146, %dma_start3A_202] : memref<160x128xi32, #tpu.memory_space<vmem>> -> memref<1x128xi32, #tpu.memory_space<vmem>>
        %dma_start3A_204 = tpu.memref_squeeze %dma_start3A_203 : memref<1x128xi32, #tpu.memory_space<vmem>> -> memref<128xi32, #tpu.memory_space<vmem>>
        %dma_start3A_205 = arith.constant 0 : i32
        %dma_start3A_206 = arith.constant 0 : i32
        %dma_start3A_207 = tpu.memref_slice %arg4[%dma_start3A_205, %dma_start3A_206] : memref<20000x64xf32, #tpu.memory_space<hbm>> -> memref<20000x64xf32, #tpu.memory_space<hbm>>
        tpu.enqueue_indirect_dma source(%dma_start3A_207 : memref<20000x64xf32, #tpu.memory_space<hbm>>) target(%arg8 : memref<128x64xf32, #tpu.memory_space<vmem>>) offsets(%dma_start3A_204 : memref<128xi32, #tpu.memory_space<vmem>>) semaphore(%arg14 : memref<!tpu.dma_semaphore, #tpu.memory_space<semaphore_mem>>)
      } else {
      }
      %mul3A_152 = arith.constant 5 : i32
      %mul3A_153 = arith.muli %scan3A_85, %mul3A_152 : i32
      %add3A_154 = arith.constant 3 : i32
      %add3A_155 = arith.addi %mul3A_153, %add3A_154 : i32
      %dma_wait3A_156 = arith.constant 0 : i32
      %dma_wait3A_157 = arith.constant 0 : i32
      %dma_wait3A_158 = tpu.memref_slice %arg4[%dma_wait3A_156, %dma_wait3A_157] : memref<20000x64xf32, #tpu.memory_space<hbm>> -> memref<128x64xf32, #tpu.memory_space<hbm>>
      %dma_wait3A_159 = arith.constant 0 : i32
      %dma_wait3A_160 = arith.constant 0 : i32
      %dma_wait3A_161 = tpu.memref_slice %arg4[%dma_wait3A_159, %dma_wait3A_160] : memref<20000x64xf32, #tpu.memory_space<hbm>> -> memref<128x64xf32, #tpu.memory_space<hbm>>
      tpu.wait_dma2 semaphore(%arg17 : memref<!tpu.dma_semaphore, #tpu.memory_space<semaphore_mem>>) src(%dma_wait3A_161 : memref<128x64xf32, #tpu.memory_space<hbm>>) dst(%arg11 : memref<128x64xf32, #tpu.memory_space<vmem>>)
      %dma_start3A_162 = arith.constant 0 : i32
      %dma_start3A_163 = tpu.memref_slice %arg7[%add3A_155, %dma_start3A_162] : memref<160x128xi32, #tpu.memory_space<vmem>> -> memref<1x128xi32, #tpu.memory_space<vmem>>
      %dma_start3A_164 = tpu.memref_squeeze %dma_start3A_163 : memref<1x128xi32, #tpu.memory_space<vmem>> -> memref<128xi32, #tpu.memory_space<vmem>>
      %dma_start3A_165 = arith.constant 0 : i32
      %dma_start3A_166 = arith.constant 0 : i32
      %dma_start3A_167 = tpu.memref_slice %arg13[%dma_start3A_165, %dma_start3A_166] : memref<10240x64xf32, #tpu.memory_space<vmem_shared>> -> memref<10240x64xf32, #tpu.memory_space<vmem_shared>>
      tpu.enqueue_indirect_dma source(%arg11 : memref<128x64xf32, #tpu.memory_space<vmem>>) target(%dma_start3A_167 : memref<10240x64xf32, #tpu.memory_space<vmem_shared>>) offsets(%dma_start3A_164 : memref<128xi32, #tpu.memory_space<vmem>>) semaphore(%arg22 : memref<!tpu.dma_semaphore, #tpu.memory_space<semaphore_mem>>) {add = true}
      %add3A_168 = arith.constant 3 : i32
      %add3A_169 = arith.addi %add3A_155, %add3A_168 : i32
      %lt3A_170 = arith.constant 160 : i32
      %lt3A_171 = arith.cmpi slt, %add3A_169, %lt3A_170 : i32
      %convert_element_type3A_172 = arith.extui %lt3A_171 : i1 to i32
      %cond3A_173 = arith.constant 0 : i32
      %cond3A_174 = arith.cmpi ne, %convert_element_type3A_172, %cond3A_173 : i32
      scf.if %cond3A_174 {
        %ge3A = arith.constant 5 : i32
        %ge3A_198 = arith.cmpi sge, %add3A_169, %ge3A : i32
        %convert_element_type3A_199 = arith.extui %ge3A_198 : i1 to i32
        %cond3A_200 = arith.constant 0 : i32
        %cond3A_201 = arith.cmpi ne, %convert_element_type3A_199, %cond3A_200 : i32
        scf.if %cond3A_201 {
          %dma_wait3A_208 = arith.constant 0 : i32
          %dma_wait3A_209 = arith.constant 0 : i32
          %dma_wait3A_210 = tpu.memref_slice %arg4[%dma_wait3A_208, %dma_wait3A_209] : memref<20000x64xf32, #tpu.memory_space<hbm>> -> memref<128x64xf32, #tpu.memory_space<hbm>>
          %dma_wait3A_211 = arith.constant 0 : i32
          %dma_wait3A_212 = arith.constant 0 : i32
          %dma_wait3A_213 = tpu.memref_slice %arg4[%dma_wait3A_211, %dma_wait3A_212] : memref<20000x64xf32, #tpu.memory_space<hbm>> -> memref<128x64xf32, #tpu.memory_space<hbm>>
          tpu.wait_dma2 semaphore(%arg20 : memref<!tpu.dma_semaphore, #tpu.memory_space<semaphore_mem>>) src(%dma_wait3A_213 : memref<128x64xf32, #tpu.memory_space<hbm>>) dst(%arg9 : memref<128x64xf32, #tpu.memory_space<vmem>>)
        } else {
        }
        %dma_start3A_202 = arith.constant 0 : i32
        %dma_start3A_203 = tpu.memref_slice %arg6[%add3A_169, %dma_start3A_202] : memref<160x128xi32, #tpu.memory_space<vmem>> -> memref<1x128xi32, #tpu.memory_space<vmem>>
        %dma_start3A_204 = tpu.memref_squeeze %dma_start3A_203 : memref<1x128xi32, #tpu.memory_space<vmem>> -> memref<128xi32, #tpu.memory_space<vmem>>
        %dma_start3A_205 = arith.constant 0 : i32
        %dma_start3A_206 = arith.constant 0 : i32
        %dma_start3A_207 = tpu.memref_slice %arg4[%dma_start3A_205, %dma_start3A_206] : memref<20000x64xf32, #tpu.memory_space<hbm>> -> memref<20000x64xf32, #tpu.memory_space<hbm>>
        tpu.enqueue_indirect_dma source(%dma_start3A_207 : memref<20000x64xf32, #tpu.memory_space<hbm>>) target(%arg9 : memref<128x64xf32, #tpu.memory_space<vmem>>) offsets(%dma_start3A_204 : memref<128xi32, #tpu.memory_space<vmem>>) semaphore(%arg15 : memref<!tpu.dma_semaphore, #tpu.memory_space<semaphore_mem>>)
      } else {
      }
      %mul3A_175 = arith.constant 5 : i32
      %mul3A_176 = arith.muli %scan3A_85, %mul3A_175 : i32
      %add3A_177 = arith.constant 4 : i32
      %add3A_178 = arith.addi %mul3A_176, %add3A_177 : i32
      %dma_wait3A_179 = arith.constant 0 : i32
      %dma_wait3A_180 = arith.constant 0 : i32
      %dma_wait3A_181 = tpu.memref_slice %arg4[%dma_wait3A_179, %dma_wait3A_180] : memref<20000x64xf32, #tpu.memory_space<hbm>> -> memref<128x64xf32, #tpu.memory_space<hbm>>
      %dma_wait3A_182 = arith.constant 0 : i32
      %dma_wait3A_183 = arith.constant 0 : i32
      %dma_wait3A_184 = tpu.memref_slice %arg4[%dma_wait3A_182, %dma_wait3A_183] : memref<20000x64xf32, #tpu.memory_space<hbm>> -> memref<128x64xf32, #tpu.memory_space<hbm>>
      tpu.wait_dma2 semaphore(%arg18 : memref<!tpu.dma_semaphore, #tpu.memory_space<semaphore_mem>>) src(%dma_wait3A_184 : memref<128x64xf32, #tpu.memory_space<hbm>>) dst(%arg12 : memref<128x64xf32, #tpu.memory_space<vmem>>)
      %dma_start3A_185 = arith.constant 0 : i32
      %dma_start3A_186 = tpu.memref_slice %arg7[%add3A_178, %dma_start3A_185] : memref<160x128xi32, #tpu.memory_space<vmem>> -> memref<1x128xi32, #tpu.memory_space<vmem>>
      %dma_start3A_187 = tpu.memref_squeeze %dma_start3A_186 : memref<1x128xi32, #tpu.memory_space<vmem>> -> memref<128xi32, #tpu.memory_space<vmem>>
      %dma_start3A_188 = arith.constant 0 : i32
      %dma_start3A_189 = arith.constant 0 : i32
      %dma_start3A_190 = tpu.memref_slice %arg13[%dma_start3A_188, %dma_start3A_189] : memref<10240x64xf32, #tpu.memory_space<vmem_shared>> -> memref<10240x64xf32, #tpu.memory_space<vmem_shared>>
      tpu.enqueue_indirect_dma source(%arg12 : memref<128x64xf32, #tpu.memory_space<vmem>>) target(%dma_start3A_190 : memref<10240x64xf32, #tpu.memory_space<vmem_shared>>) offsets(%dma_start3A_187 : memref<128xi32, #tpu.memory_space<vmem>>) semaphore(%arg23 : memref<!tpu.dma_semaphore, #tpu.memory_space<semaphore_mem>>) {add = true}
      %add3A_191 = arith.constant 3 : i32
      %add3A_192 = arith.addi %add3A_178, %add3A_191 : i32
      %lt3A_193 = arith.constant 160 : i32
      %lt3A_194 = arith.cmpi slt, %add3A_192, %lt3A_193 : i32
      %convert_element_type3A_195 = arith.extui %lt3A_194 : i1 to i32
      %cond3A_196 = arith.constant 0 : i32
      %cond3A_197 = arith.cmpi ne, %convert_element_type3A_195, %cond3A_196 : i32
      scf.if %cond3A_197 {
        %ge3A = arith.constant 5 : i32
        %ge3A_198 = arith.cmpi sge, %add3A_192, %ge3A : i32
        %convert_element_type3A_199 = arith.extui %ge3A_198 : i1 to i32
        %cond3A_200 = arith.constant 0 : i32
        %cond3A_201 = arith.cmpi ne, %convert_element_type3A_199, %cond3A_200 : i32
        scf.if %cond3A_201 {
          %dma_wait3A_208 = arith.constant 0 : i32
          %dma_wait3A_209 = arith.constant 0 : i32
          %dma_wait3A_210 = tpu.memref_slice %arg4[%dma_wait3A_208, %dma_wait3A_209] : memref<20000x64xf32, #tpu.memory_space<hbm>> -> memref<128x64xf32, #tpu.memory_space<hbm>>
          %dma_wait3A_211 = arith.constant 0 : i32
          %dma_wait3A_212 = arith.constant 0 : i32
          %dma_wait3A_213 = tpu.memref_slice %arg4[%dma_wait3A_211, %dma_wait3A_212] : memref<20000x64xf32, #tpu.memory_space<hbm>> -> memref<128x64xf32, #tpu.memory_space<hbm>>
          tpu.wait_dma2 semaphore(%arg21 : memref<!tpu.dma_semaphore, #tpu.memory_space<semaphore_mem>>) src(%dma_wait3A_213 : memref<128x64xf32, #tpu.memory_space<hbm>>) dst(%arg10 : memref<128x64xf32, #tpu.memory_space<vmem>>)
        } else {
        }
        %dma_start3A_202 = arith.constant 0 : i32
        %dma_start3A_203 = tpu.memref_slice %arg6[%add3A_192, %dma_start3A_202] : memref<160x128xi32, #tpu.memory_space<vmem>> -> memref<1x128xi32, #tpu.memory_space<vmem>>
        %dma_start3A_204 = tpu.memref_squeeze %dma_start3A_203 : memref<1x128xi32, #tpu.memory_space<vmem>> -> memref<128xi32, #tpu.memory_space<vmem>>
        %dma_start3A_205 = arith.constant 0 : i32
        %dma_start3A_206 = arith.constant 0 : i32
        %dma_start3A_207 = tpu.memref_slice %arg4[%dma_start3A_205, %dma_start3A_206] : memref<20000x64xf32, #tpu.memory_space<hbm>> -> memref<20000x64xf32, #tpu.memory_space<hbm>>
        tpu.enqueue_indirect_dma source(%dma_start3A_207 : memref<20000x64xf32, #tpu.memory_space<hbm>>) target(%arg10 : memref<128x64xf32, #tpu.memory_space<vmem>>) offsets(%dma_start3A_204 : memref<128xi32, #tpu.memory_space<vmem>>) semaphore(%arg16 : memref<!tpu.dma_semaphore, #tpu.memory_space<semaphore_mem>>)
      } else {
      }
    }
    %scan3A_48 = arith.constant 32 : i32
    %dma_wait3A = arith.constant 0 : i32
    %dma_wait3A_49 = arith.constant 0 : i32
    %dma_wait3A_50 = tpu.memref_slice %arg4[%dma_wait3A, %dma_wait3A_49] : memref<20000x64xf32, #tpu.memory_space<hbm>> -> memref<128x64xf32, #tpu.memory_space<hbm>>
    %dma_wait3A_51 = arith.constant 0 : i32
    %dma_wait3A_52 = arith.constant 0 : i32
    %dma_wait3A_53 = tpu.memref_slice %arg4[%dma_wait3A_51, %dma_wait3A_52] : memref<20000x64xf32, #tpu.memory_space<hbm>> -> memref<128x64xf32, #tpu.memory_space<hbm>>
    tpu.wait_dma2 semaphore(%arg19 : memref<!tpu.dma_semaphore, #tpu.memory_space<semaphore_mem>>) src(%dma_wait3A_53 : memref<128x64xf32, #tpu.memory_space<hbm>>) dst(%arg8 : memref<128x64xf32, #tpu.memory_space<vmem>>)
    %dma_wait3A_54 = arith.constant 0 : i32
    %dma_wait3A_55 = arith.constant 0 : i32
    %dma_wait3A_56 = tpu.memref_slice %arg4[%dma_wait3A_54, %dma_wait3A_55] : memref<20000x64xf32, #tpu.memory_space<hbm>> -> memref<128x64xf32, #tpu.memory_space<hbm>>
    %dma_wait3A_57 = arith.constant 0 : i32
    %dma_wait3A_58 = arith.constant 0 : i32
    %dma_wait3A_59 = tpu.memref_slice %arg4[%dma_wait3A_57, %dma_wait3A_58] : memref<20000x64xf32, #tpu.memory_space<hbm>> -> memref<128x64xf32, #tpu.memory_space<hbm>>
    tpu.wait_dma2 semaphore(%arg20 : memref<!tpu.dma_semaphore, #tpu.memory_space<semaphore_mem>>) src(%dma_wait3A_59 : memref<128x64xf32, #tpu.memory_space<hbm>>) dst(%arg9 : memref<128x64xf32, #tpu.memory_space<vmem>>)
    %dma_wait3A_60 = arith.constant 0 : i32
    %dma_wait3A_61 = arith.constant 0 : i32
    %dma_wait3A_62 = tpu.memref_slice %arg4[%dma_wait3A_60, %dma_wait3A_61] : memref<20000x64xf32, #tpu.memory_space<hbm>> -> memref<128x64xf32, #tpu.memory_space<hbm>>
    %dma_wait3A_63 = arith.constant 0 : i32
    %dma_wait3A_64 = arith.constant 0 : i32
    %dma_wait3A_65 = tpu.memref_slice %arg4[%dma_wait3A_63, %dma_wait3A_64] : memref<20000x64xf32, #tpu.memory_space<hbm>> -> memref<128x64xf32, #tpu.memory_space<hbm>>
    tpu.wait_dma2 semaphore(%arg21 : memref<!tpu.dma_semaphore, #tpu.memory_space<semaphore_mem>>) src(%dma_wait3A_65 : memref<128x64xf32, #tpu.memory_space<hbm>>) dst(%arg10 : memref<128x64xf32, #tpu.memory_space<vmem>>)
    %dma_wait3A_66 = arith.constant 0 : i32
    %dma_wait3A_67 = arith.constant 0 : i32
    %dma_wait3A_68 = tpu.memref_slice %arg4[%dma_wait3A_66, %dma_wait3A_67] : memref<20000x64xf32, #tpu.memory_space<hbm>> -> memref<128x64xf32, #tpu.memory_space<hbm>>
    %dma_wait3A_69 = arith.constant 0 : i32
    %dma_wait3A_70 = arith.constant 0 : i32
    %dma_wait3A_71 = tpu.memref_slice %arg4[%dma_wait3A_69, %dma_wait3A_70] : memref<20000x64xf32, #tpu.memory_space<hbm>> -> memref<128x64xf32, #tpu.memory_space<hbm>>
    tpu.wait_dma2 semaphore(%arg22 : memref<!tpu.dma_semaphore, #tpu.memory_space<semaphore_mem>>) src(%dma_wait3A_71 : memref<128x64xf32, #tpu.memory_space<hbm>>) dst(%arg11 : memref<128x64xf32, #tpu.memory_space<vmem>>)
    %dma_wait3A_72 = arith.constant 0 : i32
    %dma_wait3A_73 = arith.constant 0 : i32
    %dma_wait3A_74 = tpu.memref_slice %arg4[%dma_wait3A_72, %dma_wait3A_73] : memref<20000x64xf32, #tpu.memory_space<hbm>> -> memref<128x64xf32, #tpu.memory_space<hbm>>
    %dma_wait3A_75 = arith.constant 0 : i32
    %dma_wait3A_76 = arith.constant 0 : i32
    %dma_wait3A_77 = tpu.memref_slice %arg4[%dma_wait3A_75, %dma_wait3A_76] : memref<20000x64xf32, #tpu.memory_space<hbm>> -> memref<128x64xf32, #tpu.memory_space<hbm>>
    tpu.wait_dma2 semaphore(%arg23 : memref<!tpu.dma_semaphore, #tpu.memory_space<semaphore_mem>>) src(%dma_wait3A_77 : memref<128x64xf32, #tpu.memory_space<hbm>>) dst(%arg12 : memref<128x64xf32, #tpu.memory_space<vmem>>)
    %barrier3A_78 = arith.constant 0 : index
    tpu.barrier barrier_id(%barrier3A_78)
    %scan3A_79 = arith.constant 0 : i32
    %scan3A_80 = arith.constant 0 : i32
    %scan3A_81 = arith.constant 8 : i32
    %scan3A_82 = arith.addi %scan3A_80, %scan3A_81 : i32
    %scan3A_83 = arith.constant 1 : i32
    scf.for %scan3A_85 = %scan3A_80 to %scan3A_82 step %scan3A_83  : i32 {
      %mul3A_86 = arith.constant 16 : i32
      %mul3A_87 = arith.muli %scan3A_85, %mul3A_86 : i32
      %add3A_88 = arith.addi %mul3A_87, %arg1 : i32
      %lt3A = arith.constant 125 : i32
      %lt3A_89 = arith.cmpi slt, %add3A_88, %lt3A : i32
      %convert_element_type3A = arith.extui %lt3A_89 : i1 to i32
      %cond3A = arith.constant 0 : i32
      %cond3A_90 = arith.cmpi ne, %convert_element_type3A, %cond3A : i32
      scf.if %cond3A_90 {
        %mul3A_91 = arith.constant 80 : i32
        %mul3A_92 = arith.muli %add3A_88, %mul3A_91 : i32
        "tpu.region"() ({
          %run_scoped3A = tpu.sem_alloc : memref<!tpu.dma_semaphore, #tpu.memory_space<semaphore_mem>>
          %dma_start3A_93 = arith.constant 0 : i32
          %dma_start3A_94 = arith.constant 0 : i32
          %dma_start3A_95 = tpu.memref_slice %arg8[%dma_start3A_93, %dma_start3A_94] : memref<128x64xf32, #tpu.memory_space<vmem>> -> memref<80x64xf32, #tpu.memory_space<vmem>>
          %dma_start3A_96 = arith.constant 0 : i32
          %dma_start3A_97 = tpu.memref_slice %arg13[%mul3A_92, %dma_start3A_96] : memref<10240x64xf32, #tpu.memory_space<vmem_shared>> -> memref<80x64xf32, #tpu.memory_space<vmem_shared>>
          %dma_start3A_98 = arith.constant 0 : i32
          %dma_start3A_99 = arith.constant 0 : i32
          %dma_start3A_100 = tpu.memref_slice %arg8[%dma_start3A_98, %dma_start3A_99] : memref<128x64xf32, #tpu.memory_space<vmem>> -> memref<80x64xf32, #tpu.memory_space<vmem>>
          %dma_start3A_101 = arith.constant 0 : i32
          %dma_start3A_102 = tpu.memref_slice %arg13[%mul3A_92, %dma_start3A_101] : memref<10240x64xf32, #tpu.memory_space<vmem_shared>> -> memref<80x64xf32, #tpu.memory_space<vmem_shared>>
          tpu.enqueue_dma source(%dma_start3A_102 : memref<80x64xf32, #tpu.memory_space<vmem_shared>>) target(%dma_start3A_100 : memref<80x64xf32, #tpu.memory_space<vmem>>) target_semaphore(%run_scoped3A : memref<!tpu.dma_semaphore, #tpu.memory_space<semaphore_mem>>)
          %dma_wait3A_103 = arith.constant 0 : i32
          %dma_wait3A_104 = arith.constant 0 : i32
          %dma_wait3A_105 = tpu.memref_slice %arg8[%dma_wait3A_103, %dma_wait3A_104] : memref<128x64xf32, #tpu.memory_space<vmem>> -> memref<80x64xf32, #tpu.memory_space<vmem>>
          %dma_wait3A_106 = arith.constant 0 : i32
          %dma_wait3A_107 = tpu.memref_slice %arg13[%mul3A_92, %dma_wait3A_106] : memref<10240x64xf32, #tpu.memory_space<vmem_shared>> -> memref<80x64xf32, #tpu.memory_space<vmem_shared>>
          %dma_wait3A_108 = arith.constant 0 : i32
          %dma_wait3A_109 = arith.constant 0 : i32
          %dma_wait3A_110 = tpu.memref_slice %arg8[%dma_wait3A_108, %dma_wait3A_109] : memref<128x64xf32, #tpu.memory_space<vmem>> -> memref<80x64xf32, #tpu.memory_space<vmem>>
          %dma_wait3A_111 = arith.constant 0 : i32
          %dma_wait3A_112 = tpu.memref_slice %arg13[%mul3A_92, %dma_wait3A_111] : memref<10240x64xf32, #tpu.memory_space<vmem_shared>> -> memref<80x64xf32, #tpu.memory_space<vmem_shared>>
          tpu.wait_dma2 semaphore(%run_scoped3A : memref<!tpu.dma_semaphore, #tpu.memory_space<semaphore_mem>>) src(%dma_wait3A_112 : memref<80x64xf32, #tpu.memory_space<vmem_shared>>) dst(%dma_wait3A_110 : memref<80x64xf32, #tpu.memory_space<vmem>>)
          tpu.yield
        }) : () -> ()
        "tpu.region"() ({
          %run_scoped3A = tpu.sem_alloc : memref<!tpu.dma_semaphore, #tpu.memory_space<semaphore_mem>>
          %dma_start3A_93 = arith.constant 0 : i32
          %dma_start3A_94 = arith.constant 0 : i32
          %dma_start3A_95 = tpu.memref_slice %arg8[%dma_start3A_93, %dma_start3A_94] : memref<128x64xf32, #tpu.memory_space<vmem>> -> memref<80x64xf32, #tpu.memory_space<vmem>>
          %dma_start3A_96 = arith.constant 0 : i32
          %dma_start3A_97 = tpu.memref_slice %arg5[%arg0, %mul3A_92, %dma_start3A_96] : memref<2x10000x64xf32, #tpu.memory_space<hbm>> -> memref<1x80x64xf32, #tpu.memory_space<hbm>>
          %dma_start3A_98 = tpu.memref_squeeze %dma_start3A_97 : memref<1x80x64xf32, #tpu.memory_space<hbm>> -> memref<80x64xf32, #tpu.memory_space<hbm>>
          %dma_start3A_99 = arith.constant 0 : i32
          %dma_start3A_100 = tpu.memref_slice %arg5[%arg0, %mul3A_92, %dma_start3A_99] : memref<2x10000x64xf32, #tpu.memory_space<hbm>> -> memref<1x80x64xf32, #tpu.memory_space<hbm>>
          %dma_start3A_101 = tpu.memref_squeeze %dma_start3A_100 : memref<1x80x64xf32, #tpu.memory_space<hbm>> -> memref<80x64xf32, #tpu.memory_space<hbm>>
          %dma_start3A_102 = arith.constant 0 : i32
          %dma_start3A_103 = arith.constant 0 : i32
          %dma_start3A_104 = tpu.memref_slice %arg8[%dma_start3A_102, %dma_start3A_103] : memref<128x64xf32, #tpu.memory_space<vmem>> -> memref<80x64xf32, #tpu.memory_space<vmem>>
          tpu.enqueue_dma source(%dma_start3A_104 : memref<80x64xf32, #tpu.memory_space<vmem>>) target(%dma_start3A_101 : memref<80x64xf32, #tpu.memory_space<hbm>>) target_semaphore(%run_scoped3A : memref<!tpu.dma_semaphore, #tpu.memory_space<semaphore_mem>>)
          %dma_wait3A_105 = arith.constant 0 : i32
          %dma_wait3A_106 = arith.constant 0 : i32
          %dma_wait3A_107 = tpu.memref_slice %arg8[%dma_wait3A_105, %dma_wait3A_106] : memref<128x64xf32, #tpu.memory_space<vmem>> -> memref<80x64xf32, #tpu.memory_space<vmem>>
          %dma_wait3A_108 = arith.constant 0 : i32
          %dma_wait3A_109 = tpu.memref_slice %arg5[%arg0, %mul3A_92, %dma_wait3A_108] : memref<2x10000x64xf32, #tpu.memory_space<hbm>> -> memref<1x80x64xf32, #tpu.memory_space<hbm>>
          %dma_wait3A_110 = tpu.memref_squeeze %dma_wait3A_109 : memref<1x80x64xf32, #tpu.memory_space<hbm>> -> memref<80x64xf32, #tpu.memory_space<hbm>>
          %dma_wait3A_111 = arith.constant 0 : i32
          %dma_wait3A_112 = tpu.memref_slice %arg5[%arg0, %mul3A_92, %dma_wait3A_111] : memref<2x10000x64xf32, #tpu.memory_space<hbm>> -> memref<1x80x64xf32, #tpu.memory_space<hbm>>
          %dma_wait3A_113 = tpu.memref_squeeze %dma_wait3A_112 : memref<1x80x64xf32, #tpu.memory_space<hbm>> -> memref<80x64xf32, #tpu.memory_space<hbm>>
          %dma_wait3A_114 = arith.constant 0 : i32
          %dma_wait3A_115 = arith.constant 0 : i32
          %dma_wait3A_116 = tpu.memref_slice %arg8[%dma_wait3A_114, %dma_wait3A_115] : memref<128x64xf32, #tpu.memory_space<vmem>> -> memref<80x64xf32, #tpu.memory_space<vmem>>
          tpu.wait_dma2 semaphore(%run_scoped3A : memref<!tpu.dma_semaphore, #tpu.memory_space<semaphore_mem>>) src(%dma_wait3A_116 : memref<80x64xf32, #tpu.memory_space<vmem>>) dst(%dma_wait3A_113 : memref<80x64xf32, #tpu.memory_space<hbm>>)
          tpu.yield
        }) : () -> ()
      } else {
      }
    }
    %scan3A_84 = arith.constant 8 : i32
    return
  }
}

</mosaic_0001>

<sc_bundles>
// kernel: kernel.3.cloned.1.call-start
scs
__scs_entry_jumppad:
0x0: {  	(pc) =	sbr.rel $0x88, $3  }
0x1: {  	(tag) =	ssettag $0x0;
	lr =	simm.s32 $0x1  }
0x2: {  	[smem:$0x3F9F] =	sst lr;
	_ =	strace $0xD0000000  }
0x3: {  	_ = 	snop  }
0x4: {  	_ = 	snop  }
0x5: {  	_ = 	snop  }
0x6: {  	_ = 	snop  }
0x7: {  	_ = 	snop  }
__scs_overlays_trampoline_lowered:
0x8: {  	[smem:$0x3FAE] =	sst s0  }
0x9: {  	[smem:$0x3FAF] =	sst s1  }
0xa: {  	[smem:$0x3FB0] =	sst s2  }
0xb: {  	[smem:$0x3FB1] =	sst s3  }
0xc: {  	[smem:$0x3FB2] =	sst s4  }
0xd: {  	[smem:$0x3FB3] =	sst s5  }
0xe: {  	[smem:$0x3FB4] =	sst s6  }
0xf: {  	[smem:$0x3FB5] =	sst s7  }
0x10: {  	[smem:$0x3FB6] =	sst s8  }
0x11: {  	[smem:$0x3FB7] =	sst s9;
	s0 =	simm.s32 @!p0 $0x0  }
0x12: {  	s1 =	sld [smem:$0x3F9D];
	s0 =	simm.s32 @p0 $0x1  }
0x13: {  	[smem:$0x3FB8] =	sst s0;
	s0 =	simm.s32 @!p1 $0x0  }
0x14: {  	s2 =	sld [smem:$0x3F9C];
	s0 =	simm.s32 @p1 $0x1  }
0x15: {  	[smem:$0x3FB9] =	sst s0;
	s0 =	simm.s32 @!p2 $0x0  }
0x16: {  	s3 =	sld [smem:$0x3FDB];
	s0 =	simm.s32 @p2 $0x1  }
0x17: {  	s4 =	simm.s32 $0x1BF5;
	[smem:$0x3FBB] =	sst s0  }
0x18: {  	s0 =	sld [smem:$0x3F9E];
	_ =	swait.ge [sflag:s4], $0x0  }
0x19: {  	s7 =	sld [smem:$0x3F9F]  }
0x1a: {  	s8 =	sadd.s32 $0xFFFFE003, lr  }
0x1b: {  	s9 =	sadd.s32 $0xFFFFFEF7, lr;
	s5 =	simm.s32 $0xFFFFFFFF;
	p2 =	slt.u32 s8, $0xFFFFF086  }
0x1c: {  	p1 =	slt.u32 s9, $0xF7A;
	s5 =	simm.s32 @!p2 $0x0  }
0x1d: {  	s5 =	simm.s32 @p1 $0x1;
	p0 =	seq.s32 s7, s2  }
0x1e: {  	s7 =	smul.u32 @!p0 $0xF7A, s2;
	p2 =	seq.s32 @!p0 s5, $0x0  }
0x1f: {  	s9 =	smul.u32 $0xF7A, s1;
	s8 =	simm.s32 @!p0 $0x1BF5;
	p2 =	por !p2, p0  }
0x20: {  	[sflag:s8] =	ssyncset.s32 @!p0 $0xFFFFF086;
	s6 =	sadd.s32 @!p0 s3, s7;
	s7 =	simm.s32 @!p0 $0x108  }
0x21: {  	s3 =	sadd.s32 s3, s9;
	s6 =	sadd.s32 @!p0 $0x88, s6;
	s7 =	simm.s32 @p2 $0x1082  }
0x22: {  	[simem:s7], [sflag:s8] =	dma.local @!p0 [hbm:s6], $0xF7A  }
0x23: {  	s9 =	sor.u32 $0xD0000000, s2;
	s6 =	simm.s32 $0x108;
	_ =	swait.ge @!p0 [sflag:s8], $0x0  }
0x24: {  	s3 =	sadd.s32 $0x88, s3;
	s6 =	simm.s32 @!p1 $0x1082;
	[sflag:s4] =	ssyncset.s32 $0xFFFFF086  }
0x25: {  	[simem:s6], [sflag:s4] =	dma.local [hbm:s3], $0xF7A  }
0x26: {  	[smem:$0x3F9F] =	sst s1;
	(tag) =	ssettag s2;
	_ =	strace s9  }
0x27: {  	s1 =	sld [smem:$0x3FAF]  }
0x28: {  	s2 =	sld [smem:$0x3FB0]  }
0x29: {  	s4 =	sld [smem:$0x3FB2]  }
0x2a: {  	p0 =	seq.s32 s5, $0x0;
	s5 =	sld [smem:$0x3FB3]  }
0x2b: {  	s6 =	sld [smem:$0x3FB4]  }
0x2c: {  	s7 =	sld [smem:$0x3FB5]  }
0x2d: {  	s3 =	simm.s32 $0x108;
	s8 =	sld [smem:$0x3FB6]  }
0x2e: {  	s3 =	simm.s32 @!p0 $0x1082;
	s9 =	sld [smem:$0x3FB7]  }
0x2f: {  	lr =	sadd.s32 s0, s3;
	s0 =	sld [smem:$0x3FAE]  }
0x30: {  	s3 =	sld [smem:$0x3FB1]  }
0x31: {  	[smem:$0x3FBA] =	sst s10  }
0x32: {  	s10 =	sld [smem:$0x3FB8];
	_ =	sdelay $0x3  }
0x33: {  	p0 =	seq.s32 s10, $0x1;
	s10 =	sld [smem:$0x3FBA];
	_ =	sdelay $0x3  }
0x34: {  	[smem:$0x3FBA] =	sst s10  }
0x35: {  	s10 =	sld [smem:$0x3FB9];
	_ =	sdelay $0x3  }
0x36: {  	p1 =	seq.s32 s10, $0x1;
	s10 =	sld [smem:$0x3FBA];
	_ =	sdelay $0x3  }
0x37: {  	[smem:$0x3FBA] =	sst s10  }
0x38: {  	s10 =	sld [smem:$0x3FBB]  }
0x39: {  	_ = 	snop;
	(pc) =	sbr.ind lr, $3  }
0x3a: {  	_ = 	snop  }
0x3b: {  	_ = 	snop  }
0x3c: {  	p2 =	seq.s32 s10, $0x1;
	s10 =	sld [smem:$0x3FBA]  }
0x3d: {  	_ =	shalt  }
0x3e: {  	_ =	shalt  }
0x3f: {  	_ =	shalt  }
0x40: {  	_ =	shalt  }
0x41: {  	_ =	shalt  }
0x42: {  	_ =	shalt  }
0x43: {  	_ =	shalt  }
0x44: {  	_ =	shalt  }
0x45: {  	_ =	shalt  }
0x46: {  	_ =	shalt  }
0x47: {  	_ =	shalt  }
0x48: {  	_ =	shalt  }
0x49: {  	_ =	shalt  }
0x4a: {  	_ =	shalt  }
0x4b: {  	_ =	shalt  }
0x4c: {  	_ =	shalt  }
0x4d: {  	_ =	shalt  }
0x4e: {  	_ =	shalt  }
0x4f: {  	_ =	shalt  }
0x50: {  	_ =	shalt  }
0x51: {  	_ =	shalt  }
0x52: {  	_ =	shalt  }
0x53: {  	_ =	shalt  }
0x54: {  	_ =	shalt  }
0x55: {  	_ =	shalt  }
0x56: {  	_ =	shalt  }
0x57: {  	_ =	shalt  }
0x58: {  	_ =	shalt  }
0x59: {  	_ =	shalt  }
0x5a: {  	_ =	shalt  }
0x5b: {  	_ =	shalt  }
0x5c: {  	_ =	shalt  }
0x5d: {  	_ =	shalt  }
0x5e: {  	_ =	shalt  }
0x5f: {  	_ =	shalt  }
0x60: {  	_ =	shalt  }
0x61: {  	_ =	shalt  }
0x62: {  	_ =	shalt  }
0x63: {  	_ =	shalt  }
0x64: {  	_ =	shalt  }
0x65: {  	_ =	shalt  }
0x66: {  	_ =	shalt  }
0x67: {  	_ =	shalt  }
0x68: {  	_ =	shalt  }
0x69: {  	_ =	shalt  }
0x6a: {  	_ =	shalt  }
0x6b: {  	_ =	shalt  }
0x6c: {  	_ =	shalt  }
0x6d: {  	_ =	shalt  }
0x6e: {  	_ =	shalt  }
0x6f: {  	_ =	shalt  }
0x70: {  	_ =	shalt  }
0x71: {  	_ =	shalt  }
0x72: {  	_ =	shalt  }
0x73: {  	_ =	shalt  }
0x74: {  	_ =	shalt  }
0x75: {  	_ =	shalt  }
0x76: {  	_ =	shalt  }
0x77: {  	_ =	shalt  }
0x78: {  	_ =	shalt  }
0x79: {  	_ =	shalt  }
0x7a: {  	_ =	shalt  }
0x7b: {  	_ =	shalt  }
0x7c: {  	_ =	shalt  }
0x7d: {  	_ =	shalt  }
0x7e: {  	_ =	shalt  }
0x7f: {  	_ =	shalt  }
0x80: {  	_ =	shalt  }
0x81: {  	_ =	shalt  }
0x82: {  	_ =	shalt  }
0x83: {  	_ =	shalt  }
0x84: {  	_ =	shalt  }
0x85: {  	_ =	shalt  }
0x86: {  	_ =	shalt  }
0x87: {  	_ =	shalt  }
.Lfunc_end0:
.L_simem_size_0:
called_computation_lowered:
.L_overlay_start_0:
0x88: {  	s2 =	sld [smem:$0x3FD9]  }
0x89: {  	s3 =	sld [smem:$0x3FFE];
	_ =	sdelay $0x1  }
0x8a: {  	s1 =	srdreg.scid  }
0x8b: {  	s0 =	sand.u32 $0x1, s1  }
0x8c: {  	s17 =	sshll.u32 s0, $0xA;
	s2 =	sadd.s32 s3, s2  }
0x8d: {  	s2 =	sadd.s32 s2, s17  }
0x8e: {  	[smem:$0x3FC6] =	sst s2  }
0x8f: {  	_ = 	snop  }
0x90: {  	s2 =	sld [smem:$0x3FD0];
	(tm) =	ssettm $0x1  }
0x91: {  	s18 =	sld [smem:$0x3FFB];
	_ =	sdelay $0x3  }
0x92: {  	_ =	strace s18  }
0x93: {  	s3 =	sld [smem:$0x3FFC];
	_ =	sdelay $0x3  }
0x94: {  	_ =	strace s3  }
0x95: {  	s3 =	sld [smem:$0x3FFD];
	_ =	sdelay $0x3  }
0x96: {  	_ =	strace s3  }
0x97: {  	_ =	strace $0x8FFFFFFF  }
0x98: {  	s19 =	sld [smem:$0x3FDB];
	_ =	sdelay $0x1  }
0x99: {  	s4 =	simm.s32 $_scs_section_size  }
0x9a: {  	s5 =	simm.s32 $_size__tile_overlayer_lowered;
	s6 =	simm.s32 $_tile_overlayer_lowered  }
0x9b: {  	s22 =	simm.s32 $0x1BFF;
	s21 =	sshll.u32 s6, $0x1;
	s3 =	sadd.s32 s4, s19  }
0x9c: {  	s7 =	simm.s32 $0x0;
	s20 =	sshll.u32 s5, $0x1;
	s5 =	sadd.s32 s21, s3  }
0x9d: {  	[timem:s7], [sflag:s22] =	dma.local [hbm:s5], s20  }
0x9e: {  	_ =	swait.ge [sflag:s22], s20  }
0x9f: {  	s4 =	ssub.s32 $0x0, s20;
	[sflag:s22] =	ssyncset.done $0x0  }
0xa0: {  	[sflag:s22] =	ssyncadd.s32 s4;
	_ =	sdelay $0x1  }
0xa1: {  	s23 =	simm.s32 $0x1B8B  }
0xa2: {  	_ =	swait.ge [sflag:s23], $0x1  }
0xa3: {  	[sflag:s23] =	ssyncset.done $0x0  }
0xa4: {  	s25 =	simm.s32 $0x1B8E;
	s24 =	sld [smem:$0x3FFE];
	[sflag:s23] =	ssyncadd.s32 $0xFFFFFFFF  }
0xa5: {  	s26 =	simm.s32 $execute0_lowered;
	[smem:$0x3FD2] =	sst s25  }
0xa6: {  	s5 =	sshll.u32 s26, $0x1;
	_ =	strace $0x80000046;
	[dreg:$0x1] =	wrdreg $0xFFFFFFFF  }
0xa7: {  	s28 =	simm.s32 $_size_execute0_lowered;
	s3 =	sadd.s32 s3, s5;
	[dreg:$0x0] =	wrdreg $0x0  }
0xa8: {  	s5 =	sshll.u32 s28, $0x1;
	[dreg:$0x2] =	wrdreg s3  }
0xa9: {  	[dreg:$0x3] =	wrdreg s5  }
0xaa: {  	[dreg:$0x4] =	wrdreg $0xC0  }
0xab: {  	_ =	task [dreg:s7], $0x5FFFF  }
0xac: {  	[dreg:$0x1] =	wrdreg $0xFFFFFFFF  }
0xad: {  	[dreg:$0x0] =	wrdreg $0x60  }
0xae: {  	[dreg:$0x2] =	wrdreg s24  }
0xaf: {  	[dreg:$0x3] =	wrdreg s2  }
0xb0: {  	[dreg:$0x4] =	wrdreg $0x140000  }
0xb1: {  	[dreg:$0x5] =	wrdreg $0x9  }
0xb2: {  	_ =	task.clear_ibuf [dreg:s7], $0x6FFFF;
	_ =	strace $0x90000046  }
0xb3: {  	s29 =	simm.s32 $0x9;
	_ =	strace $0x80000048  }
0xb4: {  	_ =	swait.ge [sflag:s29], $0x1  }
0xb5: {  	[sflag:s29] =	ssyncadd.s32 $0xFFFFFFFF  }
0xb6: {  	_ =	strace $0x90000048  }
0xb7: {  	_ =	sfence  }
0xb8: {  	s30 =	sld [smem:$0x0];
	_ =	sdelay $0x2  }
0xb9: {  	s31 =	sshll.u32 s1, $0xD;
	s1 =	sshrl.u32 s1, $0x2  }
0xba: {  	s3 =	sand.u32 $0x4000, s31;
	s1 =	sadd.s32 s1, s30  }
0xbb: {  	s0 =	sor.u32 s3, s0;
	s1 =	sshll.u32 s1, $0x11  }
0xbc: {  	s0 =	sor.u32 s1, s0  }
0xbd: {  	s0 =	sadd.s32 $0x8F2B, s0  }
0xbe: {  	[sflag:s0] =	ssyncadd.remote.s32 $0x1  }
0xbf: {  	_ =	sfence.sel $0xFFFF  }
0xc0: {  	[dreg:$0x0] =	wrdreg $0xFFFFFFFF;
	(pc) =	sbr.abs _section_cstart, $3  }
0xc1: {  	[dreg:$0x1] =	wrdreg $0xFFFFFFFF  }
0xc2: {  	_ =	task.clear_ibuf [dreg:s7], $0x2FFFF;
	_ =	strace $0x9FFFFFFF  }
0xc3: {  	(tm) =	ssettm $0x7FFFFFFF  }
tec
execute0_lowered:
.L_overlay_start_1:
0x0: {  	(tag) =	ssettag $0x1  }
0x1: {  	s0 =	srdreg.scid;
	s14 =	stileid.u32  }
0x2: {  	s1 =	rddreg [dreg:$0x0];
	s4 =	smul.u32 $0x5000, s14  }
0x3: {  	s2 =	rddreg [dreg:$0x1];
	s0 =	sand.u32 $0x1, s0;
	s7 =	smul.u32 $0x1400, s14  }
0x4: {  	s3 =	rddreg [dreg:$0x2];
	s30 =	simm.s32 $0xB;
	s5 =	smul.u32 $0x50000, s0  }
0x5: {  	s17 =	sor.u32 $0x70, s14;
	s6 =	smul.u32 $0x9C400, s0;
	s0 =	ssub.s32 $0x2, s0  }
0x6: {  	s10 =	smul.u32 $0x28000, s14;
	p0 =	sgt.u32 s17, $0x7C;
	s8 =	sshrl.u32 s0, $0x1  }
0x7: {  	s12 =	sadd.s32 $0x28000, s7;
	s13 =	sadd.s32 $0x3C000, s7;
	s15 =	sadd.s32 $0x50000, s7  }
0x8: {  	s16 =	sadd.s32 $0x64000, s7;
	s18 =	sadd.s32 $0x78000, s7;
	s5 =	sadd.s32 s4, s5  }
0x9: {  	s4 =	sshrl.u32 s4, $0x3;
	s9 =	sadd.s32 s6, s7;
	s0 =	ssub.s32 s0, s8  }
0xa: {  	s21 =	sadd.s32 s6, s12;
	s11 =	sadd.s32 s6, s13;
	s23 =	sadd.s32 s6, s15  }
0xb: {  	s24 =	sadd.s32 s6, s16;
	s26 =	sadd.s32 s6, s18;
	s5 =	sshrl.u32 s5, $0x3  }
0xc: {  	s4 =	sadd.s32 s4, s1;
	s19 =	sshrl.u32 s9, $0x3;
	s9 =	sadd.s32 $0x14000, s7  }
0xd: {  	s11 =	sshrl.u32 s11, $0x3;
	s5 =	sadd.s32 s5, s1;
	s1 =	sadd.s32 $0x1E400, s1  }
0xe: {  	s25 =	sshrl.u32 s24, $0x3;
	s20 =	sadd.s32 s6, s9;
	s8 =	sadd.s32 s1, s19  }
0xf: {  	s31 =	sshrl.u32 s26, $0x3;
	[dreg:$0x4] =	wrdreg s8;
	s8 =	sshrl.u32 s20, $0x3  }
0x10: {  	s0 =	smax.u32 s0, $0x1;
	s24 =	sadd.s32 s16, s3;
	s8 =	sadd.s32 s1, s8  }
0x11: {  	s22 =	sadd.s32 s1, s11;
	[dreg:$0x5] =	wrdreg s8;
	s8 =	sshrl.u32 s21, $0x3  }
0x12: {  	s19 =	smul.u32 $0x1400, s17;
	[dreg:$0x7] =	wrdreg s22;
	s8 =	sadd.s32 s1, s8  }
0x13: {  	s11 =	simm.s32 $0x0;
	[dreg:$0x6] =	wrdreg s8;
	s8 =	sshrl.u32 s23, $0x3  }
0x14: {  	s16 =	simm.s32 $0x5;
	[smem:$0x7FF] =	sst s11;
	s8 =	sadd.s32 s1, s8  }
0x15: {  	s6 =	sadd.s32 s6, s19;
	[dreg:$0x8] =	wrdreg s8;
	s8 =	sadd.s32 s1, s25  }
0x16: {  	s6 =	sshrl.u32 s6, $0x3;
	[dreg:$0x9] =	wrdreg s8;
	s8 =	sadd.s32 s1, s31  }
0x17: {  	s5 =	sadd.s32 $0x400, s5;
	s1 =	sadd.s32 s1, s6;
	[dreg:$0xa] =	wrdreg s8  }
0x18: {  	s17 =	sadd.s32 s7, s3;
	s7 =	simm.s32 $0x10000;
	[dreg:$0xb] =	wrdreg s1  }
0x19: {  	s8 =	sadd.s32 $0x14400, s4;
	_ =	strace $0x80000047;
	[dreg:$0xc] =	wrdreg s5  }
0x1a: {  	s20 =	sadd.s32 s9, s3;
	s22 =	sadd.s32 s13, s3;
	[dreg:$0xd] =	wrdreg s8  }
0x1b: {  	s9 =	simm.s32 $0x12000;
	s13 =	simm.s32 $0x4;
	[dreg:$0xf] =	wrdreg s0  }
0x1c: {  	s26 =	sadd.s32 s19, s3;
	s19 =	simm.s32 $0xA;
	[dreg:$0x10] =	wrdreg s17  }
0x1d: {  	s21 =	sadd.s32 s12, s3;
	s12 =	simm.s32 $0x6;
	[dreg:$0x11] =	wrdreg s20  }
0x1e: {  	s23 =	sadd.s32 s15, s3;
	s15 =	simm.s32 $0x7;
	[dreg:$0x12] =	wrdreg s21  }
0x1f: {  	s25 =	sadd.s32 s18, s3;
	s6 =	sshrl.u32 s10, $0x2;
	[dreg:$0x13] =	wrdreg s22  }
0x20: {  	s18 =	simm.s32 $0x9;
	s14 =	sadd.s32 s6, s3;
	[dreg:$0x14] =	wrdreg s23  }
0x21: {  	s1 =	simm.s32 $0xA000;
	s4 =	simm.s32 $0xC000;
	[dreg:$0x15] =	wrdreg s24  }
0x22: {  	s6 =	simm.s32 $0x1;
	s10 =	sadd.s32 $0x2000, s14;
	[dreg:$0x16] =	wrdreg s25  }
.Ltmp0:
0x23: {  	[dreg:$0x17] =	wrdreg s26;
	s31 =	sadd.s32 $0x4000, s14;
	(pc) =	sbr.rel .LBB2_1-.Ltmp0, $4  }
0x24: {  	s28 =	sadd.s32 $0x6000, s14;
	s29 =	sadd.s32 $0x8000, s14;
	s25 =	simm.s32 $0x5000  }
0x25: {  	s0 =	simm.s32 $0x80;
	s5 =	simm.s32 $0xE000;
	s8 =	simm.s32 $0x2  }
0x26: {  	s17 =	simm.s32 $0x8;
	s20 =	simm.s32 $0xC;
	[dreg:$0xe] =	wrdreg s10  }
0x27: {  	v0 =	vimm.f32 $0.0e+00;
	s21 =	simm.s32 $0x0;
	[dreg:$0x18] =	wrdreg s31;
	s10 =	simm.s32 $0x3  }
.LBB2_6:
0x28: {  	_ =	swait.ge [sflag:s12], $0x2000  }
0x29: {  	[sflag:s12] =	ssyncset.done $0x0  }
0x2a: {  	[sflag:s12] =	ssyncadd.s32 $0xFFFFE000  }
0x2b: {  	_ =	swait.ge [sflag:s15], $0x2000  }
0x2c: {  	[sflag:s15] =	ssyncset.done $0x0  }
0x2d: {  	[sflag:s15] =	ssyncadd.s32 $0xFFFFE000  }
0x2e: {  	_ =	swait.ge [sflag:s17], $0x2000  }
0x2f: {  	[sflag:s17] =	ssyncset.done $0x0  }
0x30: {  	[sflag:s17] =	ssyncadd.s32 $0xFFFFE000  }
0x31: {  	_ =	swait.ge [sflag:s18], $0x2000  }
0x32: {  	[sflag:s18] =	ssyncset.done $0x0  }
0x33: {  	[sflag:s18] =	ssyncadd.s32 $0xFFFFE000  }
0x34: {  	_ =	swait.ge [sflag:s19], $0x2000  }
0x35: {  	[sflag:s19] =	ssyncset.done $0x0  }
0x36: {  	[sflag:s19] =	ssyncadd.s32 $0xFFFFE000  }
0x37: {  	[bflag:$0x0] =	sbarrier.arrive $0xFFFF  }
0x38: {  	s22 =	rddreg [dreg:$0x10]  }
0x39: {  	[tilespmem:s1], [sflag:$0xC] =	stream.linear.gather [spmem:s22], $0x1400, $0x38;
	[tilespmem:$0x1E000] =	vst v63  }
0x3a: {  	_ =	swait.ge [sflag:s20], $0x1400  }
0x3b: {  	[sflag:s20] =	ssyncset.done $0x0  }
0x3c: {  	s24 =	rddreg [dreg:$0x4];
	[sflag:s20] =	ssyncadd.s32 $0xFFFFEC00  }
0x3d: {  	[hbm4b:s24+s11] =	stream.linear.scatter [tilespmem:s1], [sflag:$0xB], $0x1400, $0x38;
	[tilespmem:$0x1E000] =	vst v63  }
0x3e: {  	_ =	swait.ge [sflag:s30], $0x1400  }
0x3f: {  	[sflag:s30] =	ssyncset.done $0x0  }
0x40: {  	s25 =	rddreg [dreg:$0x11];
	[sflag:s30] =	ssyncadd.s32 $0xFFFFEC00  }
0x41: {  	[tilespmem:s1], [sflag:$0xC] =	stream.linear.gather [spmem:s25], $0x1400, $0x38;
	[tilespmem:$0x1E000] =	vst v63  }
0x42: {  	_ =	swait.ge [sflag:s20], $0x1400  }
0x43: {  	[sflag:s20] =	ssyncset.done $0x0  }
0x44: {  	s26 =	rddreg [dreg:$0x5];
	[sflag:s20] =	ssyncadd.s32 $0xFFFFEC00  }
0x45: {  	[hbm4b:s26+s11] =	stream.linear.scatter [tilespmem:s1], [sflag:$0xB], $0x1400, $0x38;
	[tilespmem:$0x1E000] =	vst v63  }
0x46: {  	_ =	swait.ge [sflag:s30], $0x1400  }
0x47: {  	[sflag:s30] =	ssyncset.done $0x0  }
0x48: {  	s31 =	rddreg [dreg:$0x12];
	[sflag:s30] =	ssyncadd.s32 $0xFFFFEC00  }
0x49: {  	[tilespmem:s1], [sflag:$0xC] =	stream.linear.gather [spmem:s31], $0x1400, $0x38;
	[tilespmem:$0x1E000] =	vst v63  }
0x4a: {  	_ =	swait.ge [sflag:s20], $0x1400  }
0x4b: {  	[sflag:s20] =	ssyncset.done $0x0  }
0x4c: {  	s23 =	rddreg [dreg:$0x6];
	[sflag:s20] =	ssyncadd.s32 $0xFFFFEC00  }
0x4d: {  	[hbm4b:s23+s11] =	stream.linear.scatter [tilespmem:s1], [sflag:$0xB], $0x1400, $0x38;
	[tilespmem:$0x1E000] =	vst v63  }
0x4e: {  	_ =	swait.ge [sflag:s30], $0x1400  }
0x4f: {  	[sflag:s30] =	ssyncset.done $0x0  }
0x50: {  	s24 =	rddreg [dreg:$0x13];
	[sflag:s30] =	ssyncadd.s32 $0xFFFFEC00  }
0x51: {  	[tilespmem:s1], [sflag:$0xC] =	stream.linear.gather [spmem:s24], $0x1400, $0x38;
	[tilespmem:$0x1E000] =	vst v63  }
0x52: {  	_ =	swait.ge [sflag:s20], $0x1400  }
0x53: {  	[sflag:s20] =	ssyncset.done $0x0  }
0x54: {  	s25 =	rddreg [dreg:$0x7];
	[sflag:s20] =	ssyncadd.s32 $0xFFFFEC00  }
0x55: {  	[hbm4b:s25+s11] =	stream.linear.scatter [tilespmem:s1], [sflag:$0xB], $0x1400, $0x38;
	[tilespmem:$0x1E000] =	vst v63  }
0x56: {  	_ =	swait.ge [sflag:s30], $0x1400  }
0x57: {  	[sflag:s30] =	ssyncset.done $0x0  }
0x58: {  	s26 =	rddreg [dreg:$0x14];
	[sflag:s30] =	ssyncadd.s32 $0xFFFFEC00  }
0x59: {  	[tilespmem:s1], [sflag:$0xC] =	stream.linear.gather [spmem:s26], $0x1400, $0x38;
	[tilespmem:$0x1E000] =	vst v63  }
0x5a: {  	_ =	swait.ge [sflag:s20], $0x1400  }
0x5b: {  	[sflag:s20] =	ssyncset.done $0x0  }
0x5c: {  	s31 =	rddreg [dreg:$0x8];
	[sflag:s20] =	ssyncadd.s32 $0xFFFFEC00  }
0x5d: {  	[hbm4b:s31+s11] =	stream.linear.scatter [tilespmem:s1], [sflag:$0xB], $0x1400, $0x38;
	[tilespmem:$0x1E000] =	vst v63  }
0x5e: {  	_ =	swait.ge [sflag:s30], $0x1400  }
0x5f: {  	[sflag:s30] =	ssyncset.done $0x0  }
0x60: {  	s23 =	rddreg [dreg:$0x15];
	[sflag:s30] =	ssyncadd.s32 $0xFFFFEC00  }
0x61: {  	[tilespmem:s1], [sflag:$0xC] =	stream.linear.gather [spmem:s23], $0x1400, $0x38;
	[tilespmem:$0x1E000] =	vst v63  }
0x62: {  	_ =	swait.ge [sflag:s20], $0x1400  }
0x63: {  	[sflag:s20] =	ssyncset.done $0x0  }
0x64: {  	s24 =	rddreg [dreg:$0x9];
	[sflag:s20] =	ssyncadd.s32 $0xFFFFEC00  }
0x65: {  	[hbm4b:s24+s11] =	stream.linear.scatter [tilespmem:s1], [sflag:$0xB], $0x1400, $0x38;
	[tilespmem:$0x1E000] =	vst v63  }
0x66: {  	_ =	swait.ge [sflag:s30], $0x1400  }
0x67: {  	[sflag:s30] =	ssyncset.done $0x0  }
0x68: {  	s25 =	rddreg [dreg:$0x16];
	[sflag:s30] =	ssyncadd.s32 $0xFFFFEC00  }
0x69: {  	[tilespmem:s1], [sflag:$0xC] =	stream.linear.gather [spmem:s25], $0x1400, $0x38;
	[tilespmem:$0x1E000] =	vst v63  }
0x6a: {  	_ =	swait.ge [sflag:s20], $0x1400  }
0x6b: {  	[sflag:s20] =	ssyncset.done $0x0  }
0x6c: {  	s26 =	rddreg [dreg:$0xa];
	[sflag:s20] =	ssyncadd.s32 $0xFFFFEC00  }
0x6d: {  	[hbm4b:s26+s11] =	stream.linear.scatter [tilespmem:s1], [sflag:$0xB], $0x1400, $0x38;
	[tilespmem:$0x1E000] =	vst v63  }
0x6e: {  	_ =	swait.ge [sflag:s30], $0x1400  }
0x6f: {  	[sflag:s30] =	ssyncset.done $0x0  }
0x70: {  	s22 =	simm.s32 @!p0 $0xA000;
	s23 =	rddreg [dreg:$0x17];
	[sflag:s30] =	ssyncadd.s32 $0xFFFFEC00  }
0x71: {  	[tilespmem:s22], [sflag:$0xC] =	stream.linear.gather @!p0 [spmem:s23], $0x1400, $0x38;
	[tilespmem:$0x1E000] =	vst v63  }
0x72: {  	s23 =	simm.s32 @!p0 $0xC  }
0x73: {  	_ =	swait.ge @!p0 [sflag:s23], $0x1400  }
0x74: {  	[sflag:s23] =	ssyncset.done @!p0 $0x0  }
0x75: {  	s24 =	rddreg [dreg:$0xb];
	[sflag:s23] =	ssyncadd.s32 @!p0 $0xFFFFEC00;
	s23 =	simm.s32 @!p0 $0x0  }
0x76: {  	[hbm4b:s24+s23] =	stream.linear.scatter @!p0 [tilespmem:s22], [sflag:$0xB], $0x1400, $0x38;
	[tilespmem:$0x1E000] =	vst v63  }
0x77: {  	s22 =	simm.s32 @!p0 $0xB  }
0x78: {  	_ =	swait.ge @!p0 [sflag:s22], $0x1400  }
0x79: {  	s21 =	sadd.s32 $0x1, s21;
	s31 =	rddreg [dreg:$0xf]  }
0x7a: {  	p1 =	sne.s32 s21, s31  }
.Ltmp1:
0x7b: {  	_ = 	snop;
	(pc) =	sbr.rel @!p1 .LBB2_7-.Ltmp1, $3  }
0x7c: {  	_ =	sdelay $0x1  }
0x7d: {  	[sflag:s22] =	ssyncset.done @!p0 $0x0  }
0x7e: {  	s25 =	simm.s32 $0x5000;
	[sflag:s22] =	ssyncadd.s32 @!p0 $0xFFFFEC00  }
.LBB2_1:
0x7f: {  	s22 =	rddreg [dreg:$0xc]  }
0x80: {  	[tilespmem:s11], [sflag:$0xB] =	stream.linear.gather [hbm4b:s22+s11], $0x5000, $0x38;
	[tilespmem:$0x1E000] =	vst v63  }
0x81: {  	_ =	swait.ge [sflag:s30], $0x5000  }
0x82: {  	[sflag:s30] =	ssyncset.done $0x0  }
0x83: {  	s31 =	rddreg [dreg:$0xd];
	[sflag:s30] =	ssyncadd.s32 $0xFFFFB000  }
0x84: {  	[tilespmem:s25], [sflag:$0xB] =	stream.linear.gather [hbm4b:s31+s11], $0x5000, $0x38;
	[tilespmem:$0x1E000] =	vst v63  }
0x85: {  	_ =	swait.ge [sflag:s30], $0x5000  }
0x86: {  	[sflag:s30] =	ssyncset.done $0x0  }
0x87: {  	s23 =	simm.s32 $0x100;
	s22 =	simm.s32 $0x0;
	[sflag:s30] =	ssyncadd.s32 $0xFFFFB000  }
.LBB2_2:
0x88: {  	p1 =	sne.s32 s23, $0x7F00;
	[tilespmem:s22+$0xA030] =	vst v0;
	s24 =	smov.u32 s23;
	s23 =	sadd.s32 $0x100, s23  }
.Ltmp2:
0x89: {  	[tilespmem:s22+$0xA020] =	vst v0;
	(pc) =	sbr.rel @p1 .LBB2_2-.Ltmp2, $3  }
0x8a: {  	[tilespmem:s22+$0xA000] =	vst v0  }
0x8b: {  	[tilespmem:s22+$0xA010] =	vst v0;
	_ =	sdelay $0x1  }
0x8c: {  	s22 =	sshra.s32 s24, $0x2  }
0x8d: {  	[tilespmem:s22+$0xA030] =	vst v0  }
0x8e: {  	[tilespmem:s22+$0xA020] =	vst v0  }
0x8f: {  	[tilespmem:s22+$0xA000] =	vst v0  }
0x90: {  	[tilespmem:s22+$0xA010] =	vst v0  }
0x91: {  	[spmem:s14] =	stream.linear.scatter [tilespmem:s1], [sflag:$0xB], $0x2000, $0x38;
	[tilespmem:$0x1E000] =	vst v63  }
0x92: {  	_ =	swait.ge [sflag:s30], $0x2000  }
0x93: {  	[sflag:s30] =	ssyncset.done $0x0  }
0x94: {  	s24 =	rddreg [dreg:$0xe];
	[sflag:s30] =	ssyncadd.s32 $0xFFFFE000  }
0x95: {  	[spmem:s24] =	stream.linear.scatter [tilespmem:s1], [sflag:$0xB], $0x2000, $0x38;
	[tilespmem:$0x1E000] =	vst v63  }
0x96: {  	_ =	swait.ge [sflag:s30], $0x2000  }
0x97: {  	[sflag:s30] =	ssyncset.done $0x0  }
0x98: {  	s26 =	rddreg [dreg:$0x18];
	[sflag:s30] =	ssyncadd.s32 $0xFFFFE000  }
0x99: {  	[spmem:s26] =	stream.linear.scatter [tilespmem:s1], [sflag:$0xB], $0x2000, $0x38;
	[tilespmem:$0x1E000] =	vst v63  }
0x9a: {  	_ =	swait.ge [sflag:s30], $0x2000  }
0x9b: {  	[sflag:s30] =	ssyncset.done $0x0  }
0x9c: {  	[sflag:s30] =	ssyncadd.s32 $0xFFFFE000  }
0x9d: {  	[spmem:s28] =	stream.linear.scatter [tilespmem:s1], [sflag:$0xB], $0x2000, $0x38;
	[tilespmem:$0x1E000] =	vst v63  }
0x9e: {  	_ =	swait.ge [sflag:s30], $0x2000  }
0x9f: {  	[sflag:s30] =	ssyncset.done $0x0  }
0xa0: {  	[sflag:s30] =	ssyncadd.s32 $0xFFFFE000  }
0xa1: {  	[spmem:s29] =	stream.linear.scatter [tilespmem:s1], [sflag:$0xB], $0x2000, $0x38;
	[tilespmem:$0x1E000] =	vst v63  }
0xa2: {  	_ =	swait.ge [sflag:s30], $0x2000  }
0xa3: {  	[sflag:s30] =	ssyncset.done $0x0  }
0xa4: {  	[sflag:s30] =	ssyncadd.s32 $0xFFFFE000  }
0xa5: {  	s22 =	simm.s32 $0x0;
	[bflag:$0x0] =	sbarrier.arrive $0xFFFF  }
0xa6: {  	[tilespmem:s1], [sflag:$0x1] =	stream.indirect.gather [hbm4b:s2+s0], $0x40, s22, s0, $0xb8;
	[tilespmem:$0x1E000] =	vst v63  }
0xa7: {  	_ = 	snop  }
0xa8: {  	[tilespmem:s4], [sflag:$0x2] =	stream.indirect.gather [hbm4b:s2+s0], $0x40, s0, s0, $0xb8;
	[tilespmem:$0x1E000] =	vst v63  }
0xa9: {  	s23 =	simm.s32 $0x100  }
0xaa: {  	[tilespmem:s5], [sflag:$0x3] =	stream.indirect.gather [hbm4b:s2+s0], $0x40, s23, s0, $0xb8;
	[tilespmem:$0x1E000] =	vst v63  }
0xab: {  	_ =	swait.ge [sflag:s6], $0x2000  }
0xac: {  	[sflag:s6] =	ssyncset.done $0x0  }
0xad: {  	[sflag:s6] =	ssyncadd.s32 $0xFFFFE000  }
0xae: {  	[spmem:s3] =	stream.indirect.scatter.add.f32 [tilespmem:s1], [sflag:$0x6], $0x40, s25, s0, $0xb8;
	[tilespmem:$0x1E000] =	vst v63  }
0xaf: {  	s31 =	simm.s32 $0x180  }
0xb0: {  	[tilespmem:s7], [sflag:$0x4] =	stream.indirect.gather [hbm4b:s2+s0], $0x40, s31, s0, $0xb8;
	[tilespmem:$0x1E000] =	vst v63  }
0xb1: {  	_ =	swait.ge [sflag:s8], $0x2000  }
0xb2: {  	[sflag:s8] =	ssyncset.done $0x0  }
0xb3: {  	s24 =	simm.s32 $0x5080;
	[sflag:s8] =	ssyncadd.s32 $0xFFFFE000  }
0xb4: {  	[spmem:s3] =	stream.indirect.scatter.add.f32 [tilespmem:s4], [sflag:$0x7], $0x40, s24, s0, $0xb8;
	[tilespmem:$0x1E000] =	vst v63  }
0xb5: {  	s25 =	simm.s32 $0x200  }
0xb6: {  	[tilespmem:s9], [sflag:$0x5] =	stream.indirect.gather [hbm4b:s2+s0], $0x40, s25, s0, $0xb8;
	[tilespmem:$0x1E000] =	vst v63  }
0xb7: {  	_ =	swait.ge [sflag:s10], $0x2000  }
0xb8: {  	[sflag:s10] =	ssyncset.done $0x0  }
0xb9: {  	s26 =	simm.s32 $0x5100;
	[sflag:s10] =	ssyncadd.s32 $0xFFFFE000  }
0xba: {  	[spmem:s3] =	stream.indirect.scatter.add.f32 [tilespmem:s5], [sflag:$0x8], $0x40, s26, s0, $0xb8;
	[tilespmem:$0x1E000] =	vst v63  }
0xbb: {  	_ =	swait.ge [sflag:s12], $0x2000  }
0xbc: {  	[sflag:s12] =	ssyncset.done $0x0  }
0xbd: {  	s31 =	simm.s32 $0x280;
	[sflag:s12] =	ssyncadd.s32 $0xFFFFE000  }
0xbe: {  	[tilespmem:s1], [sflag:$0x1] =	stream.indirect.gather [hbm4b:s2+s0], $0x40, s31, s0, $0xb8;
	[tilespmem:$0x1E000] =	vst v63  }
0xbf: {  	_ =	swait.ge [sflag:s13], $0x2000  }
0xc0: {  	[sflag:s13] =	ssyncset.done $0x0  }
0xc1: {  	s24 =	simm.s32 $0x5180;
	[sflag:s13] =	ssyncadd.s32 $0xFFFFE000  }
0xc2: {  	[spmem:s3] =	stream.indirect.scatter.add.f32 [tilespmem:s7], [sflag:$0x9], $0x40, s24, s0, $0xb8;
	[tilespmem:$0x1E000] =	vst v63  }
0xc3: {  	_ =	swait.ge [sflag:s15], $0x2000  }
0xc4: {  	[sflag:s15] =	ssyncset.done $0x0  }
0xc5: {  	s25 =	simm.s32 $0x300;
	[sflag:s15] =	ssyncadd.s32 $0xFFFFE000  }
0xc6: {  	[tilespmem:s4], [sflag:$0x2] =	stream.indirect.gather [hbm4b:s2+s0], $0x40, s25, s0, $0xb8;
	[tilespmem:$0x1E000] =	vst v63  }
0xc7: {  	_ =	swait.ge [sflag:s16], $0x2000  }
0xc8: {  	[sflag:s16] =	ssyncset.done $0x0  }
0xc9: {  	s26 =	simm.s32 $0x5200;
	[sflag:s16] =	ssyncadd.s32 $0xFFFFE000  }
0xca: {  	[spmem:s3] =	stream.indirect.scatter.add.f32 [tilespmem:s9], [sflag:$0xA], $0x40, s26, s0, $0xb8;
	[tilespmem:$0x1E000] =	vst v63  }
0xcb: {  	_ =	swait.ge [sflag:s17], $0x2000  }
0xcc: {  	[sflag:s17] =	ssyncset.done $0x0  }
0xcd: {  	s31 =	simm.s32 $0x380;
	[sflag:s17] =	ssyncadd.s32 $0xFFFFE000  }
0xce: {  	[tilespmem:s5], [sflag:$0x3] =	stream.indirect.gather [hbm4b:s2+s0], $0x40, s31, s0, $0xb8;
	[tilespmem:$0x1E000] =	vst v63  }
.LBB2_4:
0xcf: {  	_ =	swait.ge [sflag:s6], $0x2000  }
0xd0: {  	s23 =	sshra.s32 s22, $0x2;
	[sflag:s6] =	ssyncset.done $0x0  }
0xd1: {  	s24 =	sadd.s32 $0x5280, s23;
	[sflag:s6] =	ssyncadd.s32 $0xFFFFE000  }
0xd2: {  	[spmem:s3] =	stream.indirect.scatter.add.f32 [tilespmem:s1], [sflag:$0x6], $0x40, s24, s0, $0xb8;
	[tilespmem:$0x1E000] =	vst v63  }
0xd3: {  	_ =	swait.ge [sflag:s18], $0x2000  }
0xd4: {  	[sflag:s18] =	ssyncset.done $0x0  }
0xd5: {  	s26 =	sadd.s32 $0x400, s23;
	[sflag:s18] =	ssyncadd.s32 $0xFFFFE000  }
0xd6: {  	[tilespmem:s7], [sflag:$0x4] =	stream.indirect.gather [hbm4b:s2+s0], $0x40, s26, s0, $0xb8;
	[tilespmem:$0x1E000] =	vst v63  }
0xd7: {  	_ =	swait.ge [sflag:s8], $0x2000  }
0xd8: {  	[sflag:s8] =	ssyncset.done $0x0  }
0xd9: {  	s31 =	sadd.s32 $0x5300, s23;
	[sflag:s8] =	ssyncadd.s32 $0xFFFFE000  }
0xda: {  	[spmem:s3] =	stream.indirect.scatter.add.f32 [tilespmem:s4], [sflag:$0x7], $0x40, s31, s0, $0xb8;
	[tilespmem:$0x1E000] =	vst v63  }
0xdb: {  	_ =	swait.ge [sflag:s19], $0x2000  }
0xdc: {  	[sflag:s19] =	ssyncset.done $0x0  }
0xdd: {  	s25 =	sadd.s32 $0x480, s23;
	[sflag:s19] =	ssyncadd.s32 $0xFFFFE000  }
0xde: {  	[tilespmem:s9], [sflag:$0x5] =	stream.indirect.gather [hbm4b:s2+s0], $0x40, s25, s0, $0xb8;
	[tilespmem:$0x1E000] =	vst v63  }
0xdf: {  	_ =	swait.ge [sflag:s10], $0x2000  }
0xe0: {  	p1 =	seq.s32 s22, $0x12C00;
	[sflag:s10] =	ssyncset.done $0x0  }
0xe1: {  	s24 =	simm.s32 @p1 $0x4;
	s26 =	sadd.s32 $0x5380, s23;
	[sflag:s10] =	ssyncadd.s32 $0xFFFFE000  }
0xe2: {  	[spmem:s3] =	stream.indirect.scatter.add.f32 [tilespmem:s5], [sflag:$0x8], $0x40, s26, s0, $0xb8;
	[tilespmem:$0x1E000] =	vst v63  }
0xe3: {  	_ =	swait.ge @p1 [sflag:s24], $0x2000  }
0xe4: {  	[sflag:s24] =	ssyncset.done @p1 $0x0  }
0xe5: {  	[sflag:s24] =	ssyncadd.s32 @p1 $0xFFFFE000;
	s24 =	sshra.s32 @p1 s22, $0x2  }
0xe6: {  	s31 =	simm.s32 @p1 $0x10000;
	s25 =	simm.s32 @p1 $0x80;
	s24 =	sadd.s32 @p1 $0x5400, s24  }
0xe7: {  	[spmem:s3] =	stream.indirect.scatter.add.f32 @p1 [tilespmem:s31], [sflag:$0x9], $0x40, s24, s25, $0xb8;
	[tilespmem:$0x1E000] =	vst v63  }
0xe8: {  	s24 =	simm.s32 @!p1 $0x6  }
0xe9: {  	_ =	swait.ge @!p1 [sflag:s24], $0x2000  }
0xea: {  	[sflag:s24] =	ssyncset.done @!p1 $0x0  }
0xeb: {  	[sflag:s24] =	ssyncadd.s32 @!p1 $0xFFFFE000;
	s24 =	sshra.s32 @!p1 s22, $0x2  }
0xec: {  	s26 =	simm.s32 @!p1 $0xA000;
	s31 =	simm.s32 @!p1 $0x80;
	s25 =	sadd.s32 @!p1 $0x500, s24  }
0xed: {  	[tilespmem:s26], [sflag:$0x1] =	stream.indirect.gather @!p1 [hbm4b:s2+s31], $0x40, s25, s31, $0xb8;
	[tilespmem:$0x1E000] =	vst v63  }
0xee: {  	s25 =	simm.s32 @!p1 $0x4  }
0xef: {  	_ =	swait.ge @!p1 [sflag:s25], $0x2000  }
0xf0: {  	[sflag:s25] =	ssyncset.done @!p1 $0x0  }
0xf1: {  	s26 =	simm.s32 @!p1 $0x10000;
	[sflag:s25] =	ssyncadd.s32 @!p1 $0xFFFFE000;
	s25 =	sadd.s32 @!p1 $0x5400, s24  }
0xf2: {  	[spmem:s3] =	stream.indirect.scatter.add.f32 @!p1 [tilespmem:s26], [sflag:$0x9], $0x40, s25, s31, $0xb8;
	[tilespmem:$0x1E000] =	vst v63  }
0xf3: {  	s25 =	simm.s32 @!p1 $0x7  }
0xf4: {  	_ =	swait.ge @!p1 [sflag:s25], $0x2000  }
0xf5: {  	[sflag:s25] =	ssyncset.done @!p1 $0x0  }
0xf6: {  	s24 =	sadd.s32 @!p1 $0x580, s24;
	[sflag:s25] =	ssyncadd.s32 @!p1 $0xFFFFE000;
	s25 =	simm.s32 @!p1 $0xC000  }
0xf7: {  	[tilespmem:s25], [sflag:$0x2] =	stream.indirect.gather @!p1 [hbm4b:s2+s31], $0x40, s24, s31, $0xb8;
	[tilespmem:$0x1E000] =	vst v63  }
.Ltmp3:
0xf8: {  	_ = 	snop;
	(pc) =	sbr.rel @p1 .LBB2_6-.Ltmp3, $4  }
0xf9: {  	_ =	swait.ge [sflag:s16], $0x2000  }
0xfa: {  	[sflag:s16] =	ssyncset.done $0x0  }
0xfb: {  	s31 =	sadd.s32 $0x5480, s23;
	[sflag:s16] =	ssyncadd.s32 $0xFFFFE000  }
0xfc: {  	[spmem:s3] =	stream.indirect.scatter.add.f32 [tilespmem:s9], [sflag:$0xA], $0x40, s31, s0, $0xb8;
	[tilespmem:$0x1E000] =	vst v63  }
.Ltmp4:
0xfd: {  	(pc) =	sbr.rel .LBB2_4-.Ltmp4, $4  }
0xfe: {  	_ =	swait.ge [sflag:s17], $0x2000  }
0xff: {  	[sflag:s17] =	ssyncset.done $0x0  }
0x100: {  	s23 =	sadd.s32 $0x600, s23;
	s22 =	sadd.s32 $0xA00, s22;
	[sflag:s17] =	ssyncadd.s32 $0xFFFFE000  }
0x101: {  	[tilespmem:s5], [sflag:$0x3] =	stream.indirect.gather [hbm4b:s2+s0], $0x40, s23, s0, $0xb8;
	[tilespmem:$0x1E000] =	vst v63  }
.LBB2_7:
0x102: {  	_ =	sfence.sel $0x180000  }
0x103: {  	[bflag:$0x0] =	sbarrier.arrive $0xFFFF  }
0x104: {  	_ =	strace $0x90000047  }
0x105: {  	s0 =	stileid.u32;
	[bflag:$0x2] =	sbarrier.arrive $0xFFFF  }
0x106: {  	p0 =	sne.s32 s0, $0x0;
	s0 =	rddreg [dreg:$0x3]  }
0x107: {  	s0 =	sadd.s32 @!p0 $0x100000, s0  }
0x108: {  	[sflag:s0] =	ssyncadd.tile.s32 @!p0 $0x1;
	_ =	shalt  }
.Lfunc_end2:
_tile_overlayer_lowered:
.L_overlay_start_2:
0x109: {  	(tag) =	ssettag $0x2  }
0x10a: {  	s0 =	rddreg [dreg:$0x0];
	s2 =	stileid.u32  }
0x10b: {  	s1 =	rddreg [dreg:$0x1];
	p0 =	sne.s32 s2, $0x0  }
0x10c: {  	s3 =	rddreg [dreg:$0x2];
	[bflag:$0x3] =	sbarrier.arrive $0xFFFF;
	s2 =	simm.s32 @!p0 $0x1C0B  }
0x10d: {  	[timem:s3], [sflag:s2] =	dma.local @!p0 [hbm:s0], s1  }
0x10e: {  	s0 =	simm.s32 @!p0 $0xB  }
0x10f: {  	_ =	swait.ge @!p0 [sflag:s0], s1  }
0x110: {  	s1 =	ssub.s32 @!p0 $0x0, s1;
	[sflag:s0] =	ssyncset.done @!p0 $0x0  }
0x111: {  	[sflag:s0] =	ssyncadd.s32 @!p0 s1  }
0x112: {  	[bflag:$0x3] =	sbarrier.arrive $0xFFFF  }
0x113: {  	_ =	shalt  }

</sc_bundles>
